<compile_context>
chip_gen: v7x
topology: tpu7x:2x2x1
jax: 0.10.2.dev20260603
libtpu: 0.0.44.dev20260713+nightly
codegen_flags: <defaults>
</compile_context>

<pallas_src>
import jax
import jax.numpy as jnp
from jax import lax
from jax.experimental import pallas as pl
from jax.experimental.pallas import tpu as pltpu
from jax.experimental.pallas import tpu_sc as plsc

N_EMBD = 64
SEQ = 200
BATCH = 4096

NC, NS = 2, 16
NW = NC * NS
TOTAL = BATCH * SEQ
RPW = TOTAL // NW
CHUNK = 400
NCHUNK = RPW // CHUNK
NSTREAM = 5
SPS = CHUNK // NSTREAM
LPR = N_EMBD // 16


def _body(x_hbm, pos_hbm, tok_hbm, out_hbm,
          idx_a, idx_b, rows_a, rows_b, pos_v, gsem_a, gsem_b,
          wsem_a, wsem_b):
    cid = lax.axis_index("c")
    sid = lax.axis_index("s")
    wid = sid * NC + cid
    pltpu.sync_copy(pos_hbm, pos_v)
    base = wid * RPW

    def start_gathers(c, idx_v, rows_v, gsem):
        pltpu.sync_copy(x_hbm.at[wid * NCHUNK + c], idx_v)
        for j in range(NSTREAM):
            pltpu.async_copy(tok_hbm.at[idx_v.at[j]],
                             rows_v.at[pl.ds(j * SPS, SPS)], gsem)

    def wait_gathers(idx_v, rows_v, gsem):
        for j in range(NSTREAM):
            pltpu.make_async_copy(tok_hbm.at[idx_v.at[j]],
                                  rows_v.at[pl.ds(j * SPS, SPS)],
                                  gsem).wait()

    def add_pos(rows_v):
        def add_body(r, carry2):
            for k in range(LPR):
                plsc.addupdate(rows_v.at[r, pl.ds(k * 16, 16)],
                               pos_v[r, pl.ds(k * 16, 16)])
            return carry2

        lax.fori_loop(0, CHUNK, add_body, 0, unroll=4)

    def write_out(c, rows_v, wsem):
        pltpu.async_copy(rows_v, out_hbm.at[pl.ds(base + c * CHUNK, CHUNK)],
                         wsem)

    def drain_out(rows_v, wsem):
        pltpu.make_async_copy(rows_v, out_hbm.at[pl.ds(base, CHUNK)],
                              wsem).wait()

    start_gathers(0, idx_a, rows_a, gsem_a)

    def pair_body(i, carry):
        ca = 2 * i
        cb = 2 * i + 1
        wait_gathers(idx_a, rows_a, gsem_a)

        @pl.when(i > 0)
        def _db():
            drain_out(rows_b, wsem_b)

        start_gathers(cb, idx_b, rows_b, gsem_b)
        add_pos(rows_a)
        write_out(ca, rows_a, wsem_a)
        wait_gathers(idx_b, rows_b, gsem_b)
        drain_out(rows_a, wsem_a)

        @pl.when(i < NCHUNK // 2 - 1)
        def _na():
            start_gathers(ca + 2, idx_a, rows_a, gsem_a)

        add_pos(rows_b)
        write_out(cb, rows_b, wsem_b)
        return carry

    lax.fori_loop(0, NCHUNK // 2, pair_body, 0)
    drain_out(rows_b, wsem_b)


def kernel(x, tok_emb, pos_emb):
    x2 = x.astype(jnp.int32).reshape(NW * NCHUNK, NSTREAM, SPS)
    pos_rep = jnp.concatenate([pos_emb[:SEQ]] * (CHUNK // SEQ), axis=0)
    mesh = plsc.VectorSubcoreMesh(core_axis_name="c", subcore_axis_name="s")
    f = pl.kernel(
        _body,
        out_type=jax.ShapeDtypeStruct((TOTAL, N_EMBD), jnp.float32),
        mesh=mesh,
        compiler_params=pltpu.CompilerParams(use_tc_tiling_on_sc=False),
        scratch_types=[
            pltpu.VMEM((NSTREAM, SPS), jnp.int32),
            pltpu.VMEM((NSTREAM, SPS), jnp.int32),
            pltpu.VMEM((CHUNK, N_EMBD), jnp.float32),
            pltpu.VMEM((CHUNK, N_EMBD), jnp.float32),
            pltpu.VMEM((CHUNK, N_EMBD), jnp.float32),
            pltpu.SemaphoreType.DMA,
            pltpu.SemaphoreType.DMA,
            pltpu.SemaphoreType.DMA,
            pltpu.SemaphoreType.DMA,
        ],
    )
    out = f(x2, pos_rep, tok_emb)
    return out.reshape(BATCH, SEQ, N_EMBD)

# --- scband reference (transcript-rebuilt; emitter-appended) ---
"""Pipeline reference for scband-embedding-61976378081325 (READ-ONLY COPY).

The authoritative reference and input builder live on the scoring server;
editing this copy changes nothing except your own understanding.
"""

import jax, jax.numpy as jnp
import numpy as np

VOCAB = 1000000
N_EMBD = 64
BLOCK_SIZE = 256
BATCH = 4096
SEQ = 200

def setup_inputs(seed: int = 0) -> dict:
    key = jax.random.key(seed)
    k1, k2, k3 = jax.random.split(key, 3)
    x = jax.random.randint(k1, (BATCH, SEQ), 0, VOCAB, dtype=jnp.int64 if jax.config.jax_enable_x64 else jnp.int32)
    tok_emb = jax.random.normal(k2, (VOCAB, N_EMBD), dtype=jnp.float32) * 0.02
    pos_emb = jax.random.normal(k3, (BLOCK_SIZE, N_EMBD), dtype=jnp.float32) * 0.02
    return {"x": x, "tok_emb": tok_emb, "pos_emb": pos_emb}

def reference(x, tok_emb, pos_emb):
    # tok = self.tok_emb(x)
    tok = jnp.take(tok_emb, x, axis=0)  # [B, T, n_embd]
    T = tok.shape[1]
    # pos = self.pos_emb(arange(T)[None])
    pos = jnp.take(pos_emb, jnp.arange(T), axis=0)[None, :, :]  # [1, T, n_embd]
    out = tok + pos
    # dropout acts as identity in eval/deterministic reference
    return out

if __name__ == "__main__":
    import jax
    _d = setup_inputs()
    print(jax.jit(kernel)(*tuple(_d.values())))

</pallas_src>

<mosaic_0001>
#map = affine_map<(d0, d1) -> (0, 0, 0)>
#map1 = affine_map<(d0, d1) -> (0, 0)>
module attributes {stable_mosaic.version = 14 : i64} {
  func.func @_body(%arg0: i32, %arg1: i32, %arg2: memref<2048x5x80xi32, #tpu.memory_space<hbm>>, %arg3: memref<400x64xf32, #tpu.memory_space<hbm>>, %arg4: memref<1000000x64xf32, #tpu.memory_space<hbm>>, %arg5: memref<819200x64xf32, #tpu.memory_space<hbm>>, %arg6: memref<5x80xi32, #tpu.memory_space<vmem>>, %arg7: memref<5x80xi32, #tpu.memory_space<vmem>>, %arg8: memref<400x64xf32, #tpu.memory_space<vmem>>, %arg9: memref<400x64xf32, #tpu.memory_space<vmem>>, %arg10: memref<400x64xf32, #tpu.memory_space<vmem>>, %arg11: memref<!tpu.dma_semaphore, #tpu.memory_space<semaphore_mem>>, %arg12: memref<!tpu.dma_semaphore, #tpu.memory_space<semaphore_mem>>, %arg13: memref<!tpu.dma_semaphore, #tpu.memory_space<semaphore_mem>>, %arg14: memref<!tpu.dma_semaphore, #tpu.memory_space<semaphore_mem>>) attributes {dimension_semantics = [#tpu.dimension_semantics<core_parallel>, #tpu.dimension_semantics<subcore_parallel>], iteration_bounds = array<i64: 2, 16>, scalar_prefetch = 0 : i64, scratch_operands = 9 : i64, tpu.core_type = #tpu.core_type<sc_vector_subcore>, window_params = [{transform_indices = #map}, {transform_indices = #map1}, {transform_indices = #map1}, {transform_indices = #map1}]} {
    %mul3A = arith.constant 2 : i32
    %mul3A_0 = arith.muli %arg1, %mul3A : i32
    %add3A = arith.addi %mul3A_0, %arg0 : i32
    "tpu.region"() ({
      %run_scoped3A = tpu.sem_alloc : memref<!tpu.dma_semaphore, #tpu.memory_space<semaphore_mem>>
      tpu.enqueue_dma source(%arg3 : memref<400x64xf32, #tpu.memory_space<hbm>>) target(%arg10 : memref<400x64xf32, #tpu.memory_space<vmem>>) target_semaphore(%run_scoped3A : memref<!tpu.dma_semaphore, #tpu.memory_space<semaphore_mem>>)
      tpu.wait_dma2 semaphore(%run_scoped3A : memref<!tpu.dma_semaphore, #tpu.memory_space<semaphore_mem>>) src(%arg3 : memref<400x64xf32, #tpu.memory_space<hbm>>) dst(%arg10 : memref<400x64xf32, #tpu.memory_space<vmem>>)
      tpu.yield
    }) : () -> ()
    %mul3A_1 = arith.constant 25600 : i32
    %mul3A_2 = arith.muli %add3A, %mul3A_1 : i32
    %mul3A_3 = arith.constant 64 : i32
    %mul3A_4 = arith.muli %add3A, %mul3A_3 : i32
    %add3A_5 = arith.constant 0 : i32
    %add3A_6 = arith.addi %mul3A_4, %add3A_5 : i32
    "tpu.region"() ({
      %run_scoped3A = tpu.sem_alloc : memref<!tpu.dma_semaphore, #tpu.memory_space<semaphore_mem>>
      %dma_start3A_64 = arith.constant 0 : i32
      %dma_start3A_65 = arith.constant 0 : i32
      %dma_start3A_66 = tpu.memref_slice %arg2[%add3A_6, %dma_start3A_64, %dma_start3A_65] : memref<2048x5x80xi32, #tpu.memory_space<hbm>> -> memref<1x5x80xi32, #tpu.memory_space<hbm>>
      %dma_start3A_67 = tpu.memref_squeeze %dma_start3A_66 : memref<1x5x80xi32, #tpu.memory_space<hbm>> -> memref<5x80xi32, #tpu.memory_space<hbm>>
      %dma_start3A_68 = arith.constant 0 : i32
      %dma_start3A_69 = arith.constant 0 : i32
      %dma_start3A_70 = tpu.memref_slice %arg2[%add3A_6, %dma_start3A_68, %dma_start3A_69] : memref<2048x5x80xi32, #tpu.memory_space<hbm>> -> memref<1x5x80xi32, #tpu.memory_space<hbm>>
      %dma_start3A_71 = tpu.memref_squeeze %dma_start3A_70 : memref<1x5x80xi32, #tpu.memory_space<hbm>> -> memref<5x80xi32, #tpu.memory_space<hbm>>
      tpu.enqueue_dma source(%dma_start3A_71 : memref<5x80xi32, #tpu.memory_space<hbm>>) target(%arg6 : memref<5x80xi32, #tpu.memory_space<vmem>>) target_semaphore(%run_scoped3A : memref<!tpu.dma_semaphore, #tpu.memory_space<semaphore_mem>>)
      %dma_wait3A_72 = arith.constant 0 : i32
      %dma_wait3A_73 = arith.constant 0 : i32
      %dma_wait3A_74 = tpu.memref_slice %arg2[%add3A_6, %dma_wait3A_72, %dma_wait3A_73] : memref<2048x5x80xi32, #tpu.memory_space<hbm>> -> memref<1x5x80xi32, #tpu.memory_space<hbm>>
      %dma_wait3A_75 = tpu.memref_squeeze %dma_wait3A_74 : memref<1x5x80xi32, #tpu.memory_space<hbm>> -> memref<5x80xi32, #tpu.memory_space<hbm>>
      %dma_wait3A_76 = arith.constant 0 : i32
      %dma_wait3A_77 = arith.constant 0 : i32
      %dma_wait3A_78 = tpu.memref_slice %arg2[%add3A_6, %dma_wait3A_76, %dma_wait3A_77] : memref<2048x5x80xi32, #tpu.memory_space<hbm>> -> memref<1x5x80xi32, #tpu.memory_space<hbm>>
      %dma_wait3A_79 = tpu.memref_squeeze %dma_wait3A_78 : memref<1x5x80xi32, #tpu.memory_space<hbm>> -> memref<5x80xi32, #tpu.memory_space<hbm>>
      tpu.wait_dma2 semaphore(%run_scoped3A : memref<!tpu.dma_semaphore, #tpu.memory_space<semaphore_mem>>) src(%dma_wait3A_79 : memref<5x80xi32, #tpu.memory_space<hbm>>) dst(%arg6 : memref<5x80xi32, #tpu.memory_space<vmem>>)
      tpu.yield
    }) : () -> ()
    %dma_start3A = arith.constant 0 : i32
    %dma_start3A_7 = arith.constant 0 : i32
    %dma_start3A_8 = arith.constant 0 : i32
    %dma_start3A_9 = tpu.memref_slice %arg8[%dma_start3A_7, %dma_start3A_8] : memref<400x64xf32, #tpu.memory_space<vmem>> -> memref<80x64xf32, #tpu.memory_space<vmem>>
    %dma_start3A_10 = arith.constant 0 : i32
    %dma_start3A_11 = tpu.memref_slice %arg6[%dma_start3A, %dma_start3A_10] : memref<5x80xi32, #tpu.memory_space<vmem>> -> memref<1x80xi32, #tpu.memory_space<vmem>>
    %dma_start3A_12 = tpu.memref_squeeze %dma_start3A_11 : memref<1x80xi32, #tpu.memory_space<vmem>> -> memref<80xi32, #tpu.memory_space<vmem>>
    %dma_start3A_13 = arith.constant 0 : i32
    %dma_start3A_14 = arith.constant 0 : i32
    %dma_start3A_15 = tpu.memref_slice %arg4[%dma_start3A_13, %dma_start3A_14] : memref<1000000x64xf32, #tpu.memory_space<hbm>> -> memref<1000000x64xf32, #tpu.memory_space<hbm>>
    tpu.enqueue_indirect_dma source(%dma_start3A_15 : memref<1000000x64xf32, #tpu.memory_space<hbm>>) target(%dma_start3A_9 : memref<80x64xf32, #tpu.memory_space<vmem>>) offsets(%dma_start3A_12 : memref<80xi32, #tpu.memory_space<vmem>>) semaphore(%arg11 : memref<!tpu.dma_semaphore, #tpu.memory_space<semaphore_mem>>)
    %dma_start3A_16 = arith.constant 1 : i32
    %dma_start3A_17 = arith.constant 80 : i32
    %dma_start3A_18 = arith.constant 0 : i32
    %dma_start3A_19 = tpu.memref_slice %arg8[%dma_start3A_17, %dma_start3A_18] : memref<400x64xf32, #tpu.memory_space<vmem>> -> memref<80x64xf32, #tpu.memory_space<vmem>>
    %dma_start3A_20 = arith.constant 0 : i32
    %dma_start3A_21 = tpu.memref_slice %arg6[%dma_start3A_16, %dma_start3A_20] : memref<5x80xi32, #tpu.memory_space<vmem>> -> memref<1x80xi32, #tpu.memory_space<vmem>>
    %dma_start3A_22 = tpu.memref_squeeze %dma_start3A_21 : memref<1x80xi32, #tpu.memory_space<vmem>> -> memref<80xi32, #tpu.memory_space<vmem>>
    %dma_start3A_23 = arith.constant 0 : i32
    %dma_start3A_24 = arith.constant 0 : i32
    %dma_start3A_25 = tpu.memref_slice %arg4[%dma_start3A_23, %dma_start3A_24] : memref<1000000x64xf32, #tpu.memory_space<hbm>> -> memref<1000000x64xf32, #tpu.memory_space<hbm>>
    tpu.enqueue_indirect_dma source(%dma_start3A_25 : memref<1000000x64xf32, #tpu.memory_space<hbm>>) target(%dma_start3A_19 : memref<80x64xf32, #tpu.memory_space<vmem>>) offsets(%dma_start3A_22 : memref<80xi32, #tpu.memory_space<vmem>>) semaphore(%arg11 : memref<!tpu.dma_semaphore, #tpu.memory_space<semaphore_mem>>)
    %dma_start3A_26 = arith.constant 2 : i32
    %dma_start3A_27 = arith.constant 160 : i32
    %dma_start3A_28 = arith.constant 0 : i32
    %dma_start3A_29 = tpu.memref_slice %arg8[%dma_start3A_27, %dma_start3A_28] : memref<400x64xf32, #tpu.memory_space<vmem>> -> memref<80x64xf32, #tpu.memory_space<vmem>>
    %dma_start3A_30 = arith.constant 0 : i32
    %dma_start3A_31 = tpu.memref_slice %arg6[%dma_start3A_26, %dma_start3A_30] : memref<5x80xi32, #tpu.memory_space<vmem>> -> memref<1x80xi32, #tpu.memory_space<vmem>>
    %dma_start3A_32 = tpu.memref_squeeze %dma_start3A_31 : memref<1x80xi32, #tpu.memory_space<vmem>> -> memref<80xi32, #tpu.memory_space<vmem>>
    %dma_start3A_33 = arith.constant 0 : i32
    %dma_start3A_34 = arith.constant 0 : i32
    %dma_start3A_35 = tpu.memref_slice %arg4[%dma_start3A_33, %dma_start3A_34] : memref<1000000x64xf32, #tpu.memory_space<hbm>> -> memref<1000000x64xf32, #tpu.memory_space<hbm>>
    tpu.enqueue_indirect_dma source(%dma_start3A_35 : memref<1000000x64xf32, #tpu.memory_space<hbm>>) target(%dma_start3A_29 : memref<80x64xf32, #tpu.memory_space<vmem>>) offsets(%dma_start3A_32 : memref<80xi32, #tpu.memory_space<vmem>>) semaphore(%arg11 : memref<!tpu.dma_semaphore, #tpu.memory_space<semaphore_mem>>)
    %dma_start3A_36 = arith.constant 3 : i32
    %dma_start3A_37 = arith.constant 240 : i32
    %dma_start3A_38 = arith.constant 0 : i32
    %dma_start3A_39 = tpu.memref_slice %arg8[%dma_start3A_37, %dma_start3A_38] : memref<400x64xf32, #tpu.memory_space<vmem>> -> memref<80x64xf32, #tpu.memory_space<vmem>>
    %dma_start3A_40 = arith.constant 0 : i32
    %dma_start3A_41 = tpu.memref_slice %arg6[%dma_start3A_36, %dma_start3A_40] : memref<5x80xi32, #tpu.memory_space<vmem>> -> memref<1x80xi32, #tpu.memory_space<vmem>>
    %dma_start3A_42 = tpu.memref_squeeze %dma_start3A_41 : memref<1x80xi32, #tpu.memory_space<vmem>> -> memref<80xi32, #tpu.memory_space<vmem>>
    %dma_start3A_43 = arith.constant 0 : i32
    %dma_start3A_44 = arith.constant 0 : i32
    %dma_start3A_45 = tpu.memref_slice %arg4[%dma_start3A_43, %dma_start3A_44] : memref<1000000x64xf32, #tpu.memory_space<hbm>> -> memref<1000000x64xf32, #tpu.memory_space<hbm>>
    tpu.enqueue_indirect_dma source(%dma_start3A_45 : memref<1000000x64xf32, #tpu.memory_space<hbm>>) target(%dma_start3A_39 : memref<80x64xf32, #tpu.memory_space<vmem>>) offsets(%dma_start3A_42 : memref<80xi32, #tpu.memory_space<vmem>>) semaphore(%arg11 : memref<!tpu.dma_semaphore, #tpu.memory_space<semaphore_mem>>)
    %dma_start3A_46 = arith.constant 4 : i32
    %dma_start3A_47 = arith.constant 320 : i32
    %dma_start3A_48 = arith.constant 0 : i32
    %dma_start3A_49 = tpu.memref_slice %arg8[%dma_start3A_47, %dma_start3A_48] : memref<400x64xf32, #tpu.memory_space<vmem>> -> memref<80x64xf32, #tpu.memory_space<vmem>>
    %dma_start3A_50 = arith.constant 0 : i32
    %dma_start3A_51 = tpu.memref_slice %arg6[%dma_start3A_46, %dma_start3A_50] : memref<5x80xi32, #tpu.memory_space<vmem>> -> memref<1x80xi32, #tpu.memory_space<vmem>>
    %dma_start3A_52 = tpu.memref_squeeze %dma_start3A_51 : memref<1x80xi32, #tpu.memory_space<vmem>> -> memref<80xi32, #tpu.memory_space<vmem>>
    %dma_start3A_53 = arith.constant 0 : i32
    %dma_start3A_54 = arith.constant 0 : i32
    %dma_start3A_55 = tpu.memref_slice %arg4[%dma_start3A_53, %dma_start3A_54] : memref<1000000x64xf32, #tpu.memory_space<hbm>> -> memref<1000000x64xf32, #tpu.memory_space<hbm>>
    tpu.enqueue_indirect_dma source(%dma_start3A_55 : memref<1000000x64xf32, #tpu.memory_space<hbm>>) target(%dma_start3A_49 : memref<80x64xf32, #tpu.memory_space<vmem>>) offsets(%dma_start3A_52 : memref<80xi32, #tpu.memory_space<vmem>>) semaphore(%arg11 : memref<!tpu.dma_semaphore, #tpu.memory_space<semaphore_mem>>)
    %scan3A = arith.constant 0 : i32
    %scan3A_56 = arith.constant 0 : i32
    %scan3A_57 = arith.constant 32 : i32
    %scan3A_58 = arith.addi %scan3A_56, %scan3A_57 : i32
    %scan3A_59 = arith.constant 1 : i32
    scf.for %scan3A_64 = %scan3A_56 to %scan3A_58 step %scan3A_59  : i32 {
      %mul3A_65 = arith.constant 2 : i32
      %mul3A_66 = arith.muli %mul3A_65, %scan3A_64 : i32
      %mul3A_67 = arith.constant 2 : i32
      %mul3A_68 = arith.muli %mul3A_67, %scan3A_64 : i32
      %add3A_69 = arith.constant 1 : i32
      %add3A_70 = arith.addi %mul3A_68, %add3A_69 : i32
      %dma_wait3A_71 = arith.constant 0 : i32
      %dma_wait3A_72 = arith.constant 0 : i32
      %dma_wait3A_73 = arith.constant 0 : i32
      %dma_wait3A_74 = tpu.memref_slice %arg8[%dma_wait3A_72, %dma_wait3A_73] : memref<400x64xf32, #tpu.memory_space<vmem>> -> memref<80x64xf32, #tpu.memory_space<vmem>>
      %dma_wait3A_75 = arith.constant 0 : i32
      %dma_wait3A_76 = tpu.memref_slice %arg6[%dma_wait3A_71, %dma_wait3A_75] : memref<5x80xi32, #tpu.memory_space<vmem>> -> memref<1x80xi32, #tpu.memory_space<vmem>>
      %dma_wait3A_77 = tpu.memref_squeeze %dma_wait3A_76 : memref<1x80xi32, #tpu.memory_space<vmem>> -> memref<80xi32, #tpu.memory_space<vmem>>
      %dma_wait3A_78 = arith.constant 0 : i32
      %dma_wait3A_79 = arith.constant 0 : i32
      %dma_wait3A_80 = tpu.memref_slice %arg4[%dma_wait3A_78, %dma_wait3A_79] : memref<1000000x64xf32, #tpu.memory_space<hbm>> -> memref<1000000x64xf32, #tpu.memory_space<hbm>>
      tpu.wait_indirect_dma semaphore(%arg11 : memref<!tpu.dma_semaphore, #tpu.memory_space<semaphore_mem>>) src(%dma_wait3A_80 : memref<1000000x64xf32, #tpu.memory_space<hbm>>) dst(%dma_wait3A_74 : memref<80x64xf32, #tpu.memory_space<vmem>>)
      %dma_wait3A_81 = arith.constant 1 : i32
      %dma_wait3A_82 = arith.constant 80 : i32
      %dma_wait3A_83 = arith.constant 0 : i32
      %dma_wait3A_84 = tpu.memref_slice %arg8[%dma_wait3A_82, %dma_wait3A_83] : memref<400x64xf32, #tpu.memory_space<vmem>> -> memref<80x64xf32, #tpu.memory_space<vmem>>
      %dma_wait3A_85 = arith.constant 0 : i32
      %dma_wait3A_86 = tpu.memref_slice %arg6[%dma_wait3A_81, %dma_wait3A_85] : memref<5x80xi32, #tpu.memory_space<vmem>> -> memref<1x80xi32, #tpu.memory_space<vmem>>
      %dma_wait3A_87 = tpu.memref_squeeze %dma_wait3A_86 : memref<1x80xi32, #tpu.memory_space<vmem>> -> memref<80xi32, #tpu.memory_space<vmem>>
      %dma_wait3A_88 = arith.constant 0 : i32
      %dma_wait3A_89 = arith.constant 0 : i32
      %dma_wait3A_90 = tpu.memref_slice %arg4[%dma_wait3A_88, %dma_wait3A_89] : memref<1000000x64xf32, #tpu.memory_space<hbm>> -> memref<1000000x64xf32, #tpu.memory_space<hbm>>
      tpu.wait_indirect_dma semaphore(%arg11 : memref<!tpu.dma_semaphore, #tpu.memory_space<semaphore_mem>>) src(%dma_wait3A_90 : memref<1000000x64xf32, #tpu.memory_space<hbm>>) dst(%dma_wait3A_84 : memref<80x64xf32, #tpu.memory_space<vmem>>)
      %dma_wait3A_91 = arith.constant 2 : i32
      %dma_wait3A_92 = arith.constant 160 : i32
      %dma_wait3A_93 = arith.constant 0 : i32
      %dma_wait3A_94 = tpu.memref_slice %arg8[%dma_wait3A_92, %dma_wait3A_93] : memref<400x64xf32, #tpu.memory_space<vmem>> -> memref<80x64xf32, #tpu.memory_space<vmem>>
      %dma_wait3A_95 = arith.constant 0 : i32
      %dma_wait3A_96 = tpu.memref_slice %arg6[%dma_wait3A_91, %dma_wait3A_95] : memref<5x80xi32, #tpu.memory_space<vmem>> -> memref<1x80xi32, #tpu.memory_space<vmem>>
      %dma_wait3A_97 = tpu.memref_squeeze %dma_wait3A_96 : memref<1x80xi32, #tpu.memory_space<vmem>> -> memref<80xi32, #tpu.memory_space<vmem>>
      %dma_wait3A_98 = arith.constant 0 : i32
      %dma_wait3A_99 = arith.constant 0 : i32
      %dma_wait3A_100 = tpu.memref_slice %arg4[%dma_wait3A_98, %dma_wait3A_99] : memref<1000000x64xf32, #tpu.memory_space<hbm>> -> memref<1000000x64xf32, #tpu.memory_space<hbm>>
      tpu.wait_indirect_dma semaphore(%arg11 : memref<!tpu.dma_semaphore, #tpu.memory_space<semaphore_mem>>) src(%dma_wait3A_100 : memref<1000000x64xf32, #tpu.memory_space<hbm>>) dst(%dma_wait3A_94 : memref<80x64xf32, #tpu.memory_space<vmem>>)
      %dma_wait3A_101 = arith.constant 3 : i32
      %dma_wait3A_102 = arith.constant 240 : i32
      %dma_wait3A_103 = arith.constant 0 : i32
      %dma_wait3A_104 = tpu.memref_slice %arg8[%dma_wait3A_102, %dma_wait3A_103] : memref<400x64xf32, #tpu.memory_space<vmem>> -> memref<80x64xf32, #tpu.memory_space<vmem>>
      %dma_wait3A_105 = arith.constant 0 : i32
      %dma_wait3A_106 = tpu.memref_slice %arg6[%dma_wait3A_101, %dma_wait3A_105] : memref<5x80xi32, #tpu.memory_space<vmem>> -> memref<1x80xi32, #tpu.memory_space<vmem>>
      %dma_wait3A_107 = tpu.memref_squeeze %dma_wait3A_106 : memref<1x80xi32, #tpu.memory_space<vmem>> -> memref<80xi32, #tpu.memory_space<vmem>>
      %dma_wait3A_108 = arith.constant 0 : i32
      %dma_wait3A_109 = arith.constant 0 : i32
      %dma_wait3A_110 = tpu.memref_slice %arg4[%dma_wait3A_108, %dma_wait3A_109] : memref<1000000x64xf32, #tpu.memory_space<hbm>> -> memref<1000000x64xf32, #tpu.memory_space<hbm>>
      tpu.wait_indirect_dma semaphore(%arg11 : memref<!tpu.dma_semaphore, #tpu.memory_space<semaphore_mem>>) src(%dma_wait3A_110 : memref<1000000x64xf32, #tpu.memory_space<hbm>>) dst(%dma_wait3A_104 : memref<80x64xf32, #tpu.memory_space<vmem>>)
      %dma_wait3A_111 = arith.constant 4 : i32
      %dma_wait3A_112 = arith.constant 320 : i32
      %dma_wait3A_113 = arith.constant 0 : i32
      %dma_wait3A_114 = tpu.memref_slice %arg8[%dma_wait3A_112, %dma_wait3A_113] : memref<400x64xf32, #tpu.memory_space<vmem>> -> memref<80x64xf32, #tpu.memory_space<vmem>>
      %dma_wait3A_115 = arith.constant 0 : i32
      %dma_wait3A_116 = tpu.memref_slice %arg6[%dma_wait3A_111, %dma_wait3A_115] : memref<5x80xi32, #tpu.memory_space<vmem>> -> memref<1x80xi32, #tpu.memory_space<vmem>>
      %dma_wait3A_117 = tpu.memref_squeeze %dma_wait3A_116 : memref<1x80xi32, #tpu.memory_space<vmem>> -> memref<80xi32, #tpu.memory_space<vmem>>
      %dma_wait3A_118 = arith.constant 0 : i32
      %dma_wait3A_119 = arith.constant 0 : i32
      %dma_wait3A_120 = tpu.memref_slice %arg4[%dma_wait3A_118, %dma_wait3A_119] : memref<1000000x64xf32, #tpu.memory_space<hbm>> -> memref<1000000x64xf32, #tpu.memory_space<hbm>>
      tpu.wait_indirect_dma semaphore(%arg11 : memref<!tpu.dma_semaphore, #tpu.memory_space<semaphore_mem>>) src(%dma_wait3A_120 : memref<1000000x64xf32, #tpu.memory_space<hbm>>) dst(%dma_wait3A_114 : memref<80x64xf32, #tpu.memory_space<vmem>>)
      %gt3A = arith.constant 0 : i32
      %gt3A_121 = arith.cmpi sgt, %scan3A_64, %gt3A : i32
      %convert_element_type3A = arith.extui %gt3A_121 : i1 to i32
      %cond3A = arith.constant 0 : i32
      %cond3A_122 = arith.cmpi ne, %convert_element_type3A, %cond3A : i32
      scf.if %cond3A_122 {
        %dma_wait3A_260 = arith.constant 0 : i32
        %dma_wait3A_261 = tpu.memref_slice %arg5[%mul3A_2, %dma_wait3A_260] : memref<819200x64xf32, #tpu.memory_space<hbm>> -> memref<400x64xf32, #tpu.memory_space<hbm>>
        %dma_wait3A_262 = arith.constant 0 : i32
        %dma_wait3A_263 = tpu.memref_slice %arg5[%mul3A_2, %dma_wait3A_262] : memref<819200x64xf32, #tpu.memory_space<hbm>> -> memref<400x64xf32, #tpu.memory_space<hbm>>
        tpu.wait_dma2 semaphore(%arg14 : memref<!tpu.dma_semaphore, #tpu.memory_space<semaphore_mem>>) src(%arg9 : memref<400x64xf32, #tpu.memory_space<vmem>>) dst(%dma_wait3A_263 : memref<400x64xf32, #tpu.memory_space<hbm>>)
      } else {
      }
      %mul3A_123 = arith.constant 64 : i32
      %mul3A_124 = arith.muli %add3A, %mul3A_123 : i32
      %add3A_125 = arith.addi %mul3A_124, %add3A_70 : i32
      "tpu.region"() ({
        %run_scoped3A = tpu.sem_alloc : memref<!tpu.dma_semaphore, #tpu.memory_space<semaphore_mem>>
        %dma_start3A_260 = arith.constant 0 : i32
        %dma_start3A_261 = arith.constant 0 : i32
        %dma_start3A_262 = tpu.memref_slice %arg2[%add3A_125, %dma_start3A_260, %dma_start3A_261] : memref<2048x5x80xi32, #tpu.memory_space<hbm>> -> memref<1x5x80xi32, #tpu.memory_space<hbm>>
        %dma_start3A_263 = tpu.memref_squeeze %dma_start3A_262 : memref<1x5x80xi32, #tpu.memory_space<hbm>> -> memref<5x80xi32, #tpu.memory_space<hbm>>
        %dma_start3A_264 = arith.constant 0 : i32
        %dma_start3A_265 = arith.constant 0 : i32
        %dma_start3A_266 = tpu.memref_slice %arg2[%add3A_125, %dma_start3A_264, %dma_start3A_265] : memref<2048x5x80xi32, #tpu.memory_space<hbm>> -> memref<1x5x80xi32, #tpu.memory_space<hbm>>
        %dma_start3A_267 = tpu.memref_squeeze %dma_start3A_266 : memref<1x5x80xi32, #tpu.memory_space<hbm>> -> memref<5x80xi32, #tpu.memory_space<hbm>>
        tpu.enqueue_dma source(%dma_start3A_267 : memref<5x80xi32, #tpu.memory_space<hbm>>) target(%arg7 : memref<5x80xi32, #tpu.memory_space<vmem>>) target_semaphore(%run_scoped3A : memref<!tpu.dma_semaphore, #tpu.memory_space<semaphore_mem>>)
        %dma_wait3A_268 = arith.constant 0 : i32
        %dma_wait3A_269 = arith.constant 0 : i32
        %dma_wait3A_270 = tpu.memref_slice %arg2[%add3A_125, %dma_wait3A_268, %dma_wait3A_269] : memref<2048x5x80xi32, #tpu.memory_space<hbm>> -> memref<1x5x80xi32, #tpu.memory_space<hbm>>
        %dma_wait3A_271 = tpu.memref_squeeze %dma_wait3A_270 : memref<1x5x80xi32, #tpu.memory_space<hbm>> -> memref<5x80xi32, #tpu.memory_space<hbm>>
        %dma_wait3A_272 = arith.constant 0 : i32
        %dma_wait3A_273 = arith.constant 0 : i32
        %dma_wait3A_274 = tpu.memref_slice %arg2[%add3A_125, %dma_wait3A_272, %dma_wait3A_273] : memref<2048x5x80xi32, #tpu.memory_space<hbm>> -> memref<1x5x80xi32, #tpu.memory_space<hbm>>
        %dma_wait3A_275 = tpu.memref_squeeze %dma_wait3A_274 : memref<1x5x80xi32, #tpu.memory_space<hbm>> -> memref<5x80xi32, #tpu.memory_space<hbm>>
        tpu.wait_dma2 semaphore(%run_scoped3A : memref<!tpu.dma_semaphore, #tpu.memory_space<semaphore_mem>>) src(%dma_wait3A_275 : memref<5x80xi32, #tpu.memory_space<hbm>>) dst(%arg7 : memref<5x80xi32, #tpu.memory_space<vmem>>)
        tpu.yield
      }) : () -> ()
      %dma_start3A_126 = arith.constant 0 : i32
      %dma_start3A_127 = arith.constant 0 : i32
      %dma_start3A_128 = arith.constant 0 : i32
      %dma_start3A_129 = tpu.memref_slice %arg9[%dma_start3A_127, %dma_start3A_128] : memref<400x64xf32, #tpu.memory_space<vmem>> -> memref<80x64xf32, #tpu.memory_space<vmem>>
      %dma_start3A_130 = arith.constant 0 : i32
      %dma_start3A_131 = tpu.memref_slice %arg7[%dma_start3A_126, %dma_start3A_130] : memref<5x80xi32, #tpu.memory_space<vmem>> -> memref<1x80xi32, #tpu.memory_space<vmem>>
      %dma_start3A_132 = tpu.memref_squeeze %dma_start3A_131 : memref<1x80xi32, #tpu.memory_space<vmem>> -> memref<80xi32, #tpu.memory_space<vmem>>
      %dma_start3A_133 = arith.constant 0 : i32
      %dma_start3A_134 = arith.constant 0 : i32
      %dma_start3A_135 = tpu.memref_slice %arg4[%dma_start3A_133, %dma_start3A_134] : memref<1000000x64xf32, #tpu.memory_space<hbm>> -> memref<1000000x64xf32, #tpu.memory_space<hbm>>
      tpu.enqueue_indirect_dma source(%dma_start3A_135 : memref<1000000x64xf32, #tpu.memory_space<hbm>>) target(%dma_start3A_129 : memref<80x64xf32, #tpu.memory_space<vmem>>) offsets(%dma_start3A_132 : memref<80xi32, #tpu.memory_space<vmem>>) semaphore(%arg12 : memref<!tpu.dma_semaphore, #tpu.memory_space<semaphore_mem>>)
      %dma_start3A_136 = arith.constant 1 : i32
      %dma_start3A_137 = arith.constant 80 : i32
      %dma_start3A_138 = arith.constant 0 : i32
      %dma_start3A_139 = tpu.memref_slice %arg9[%dma_start3A_137, %dma_start3A_138] : memref<400x64xf32, #tpu.memory_space<vmem>> -> memref<80x64xf32, #tpu.memory_space<vmem>>
      %dma_start3A_140 = arith.constant 0 : i32
      %dma_start3A_141 = tpu.memref_slice %arg7[%dma_start3A_136, %dma_start3A_140] : memref<5x80xi32, #tpu.memory_space<vmem>> -> memref<1x80xi32, #tpu.memory_space<vmem>>
      %dma_start3A_142 = tpu.memref_squeeze %dma_start3A_141 : memref<1x80xi32, #tpu.memory_space<vmem>> -> memref<80xi32, #tpu.memory_space<vmem>>
      %dma_start3A_143 = arith.constant 0 : i32
      %dma_start3A_144 = arith.constant 0 : i32
      %dma_start3A_145 = tpu.memref_slice %arg4[%dma_start3A_143, %dma_start3A_144] : memref<1000000x64xf32, #tpu.memory_space<hbm>> -> memref<1000000x64xf32, #tpu.memory_space<hbm>>
      tpu.enqueue_indirect_dma source(%dma_start3A_145 : memref<1000000x64xf32, #tpu.memory_space<hbm>>) target(%dma_start3A_139 : memref<80x64xf32, #tpu.memory_space<vmem>>) offsets(%dma_start3A_142 : memref<80xi32, #tpu.memory_space<vmem>>) semaphore(%arg12 : memref<!tpu.dma_semaphore, #tpu.memory_space<semaphore_mem>>)
      %dma_start3A_146 = arith.constant 2 : i32
      %dma_start3A_147 = arith.constant 160 : i32
      %dma_start3A_148 = arith.constant 0 : i32
      %dma_start3A_149 = tpu.memref_slice %arg9[%dma_start3A_147, %dma_start3A_148] : memref<400x64xf32, #tpu.memory_space<vmem>> -> memref<80x64xf32, #tpu.memory_space<vmem>>
      %dma_start3A_150 = arith.constant 0 : i32
      %dma_start3A_151 = tpu.memref_slice %arg7[%dma_start3A_146, %dma_start3A_150] : memref<5x80xi32, #tpu.memory_space<vmem>> -> memref<1x80xi32, #tpu.memory_space<vmem>>
      %dma_start3A_152 = tpu.memref_squeeze %dma_start3A_151 : memref<1x80xi32, #tpu.memory_space<vmem>> -> memref<80xi32, #tpu.memory_space<vmem>>
      %dma_start3A_153 = arith.constant 0 : i32
      %dma_start3A_154 = arith.constant 0 : i32
      %dma_start3A_155 = tpu.memref_slice %arg4[%dma_start3A_153, %dma_start3A_154] : memref<1000000x64xf32, #tpu.memory_space<hbm>> -> memref<1000000x64xf32, #tpu.memory_space<hbm>>
      tpu.enqueue_indirect_dma source(%dma_start3A_155 : memref<1000000x64xf32, #tpu.memory_space<hbm>>) target(%dma_start3A_149 : memref<80x64xf32, #tpu.memory_space<vmem>>) offsets(%dma_start3A_152 : memref<80xi32, #tpu.memory_space<vmem>>) semaphore(%arg12 : memref<!tpu.dma_semaphore, #tpu.memory_space<semaphore_mem>>)
      %dma_start3A_156 = arith.constant 3 : i32
      %dma_start3A_157 = arith.constant 240 : i32
      %dma_start3A_158 = arith.constant 0 : i32
      %dma_start3A_159 = tpu.memref_slice %arg9[%dma_start3A_157, %dma_start3A_158] : memref<400x64xf32, #tpu.memory_space<vmem>> -> memref<80x64xf32, #tpu.memory_space<vmem>>
      %dma_start3A_160 = arith.constant 0 : i32
      %dma_start3A_161 = tpu.memref_slice %arg7[%dma_start3A_156, %dma_start3A_160] : memref<5x80xi32, #tpu.memory_space<vmem>> -> memref<1x80xi32, #tpu.memory_space<vmem>>
      %dma_start3A_162 = tpu.memref_squeeze %dma_start3A_161 : memref<1x80xi32, #tpu.memory_space<vmem>> -> memref<80xi32, #tpu.memory_space<vmem>>
      %dma_start3A_163 = arith.constant 0 : i32
      %dma_start3A_164 = arith.constant 0 : i32
      %dma_start3A_165 = tpu.memref_slice %arg4[%dma_start3A_163, %dma_start3A_164] : memref<1000000x64xf32, #tpu.memory_space<hbm>> -> memref<1000000x64xf32, #tpu.memory_space<hbm>>
      tpu.enqueue_indirect_dma source(%dma_start3A_165 : memref<1000000x64xf32, #tpu.memory_space<hbm>>) target(%dma_start3A_159 : memref<80x64xf32, #tpu.memory_space<vmem>>) offsets(%dma_start3A_162 : memref<80xi32, #tpu.memory_space<vmem>>) semaphore(%arg12 : memref<!tpu.dma_semaphore, #tpu.memory_space<semaphore_mem>>)
      %dma_start3A_166 = arith.constant 4 : i32
      %dma_start3A_167 = arith.constant 320 : i32
      %dma_start3A_168 = arith.constant 0 : i32
      %dma_start3A_169 = tpu.memref_slice %arg9[%dma_start3A_167, %dma_start3A_168] : memref<400x64xf32, #tpu.memory_space<vmem>> -> memref<80x64xf32, #tpu.memory_space<vmem>>
      %dma_start3A_170 = arith.constant 0 : i32
      %dma_start3A_171 = tpu.memref_slice %arg7[%dma_start3A_166, %dma_start3A_170] : memref<5x80xi32, #tpu.memory_space<vmem>> -> memref<1x80xi32, #tpu.memory_space<vmem>>
      %dma_start3A_172 = tpu.memref_squeeze %dma_start3A_171 : memref<1x80xi32, #tpu.memory_space<vmem>> -> memref<80xi32, #tpu.memory_space<vmem>>
      %dma_start3A_173 = arith.constant 0 : i32
      %dma_start3A_174 = arith.constant 0 : i32
      %dma_start3A_175 = tpu.memref_slice %arg4[%dma_start3A_173, %dma_start3A_174] : memref<1000000x64xf32, #tpu.memory_space<hbm>> -> memref<1000000x64xf32, #tpu.memory_space<hbm>>
      tpu.enqueue_indirect_dma source(%dma_start3A_175 : memref<1000000x64xf32, #tpu.memory_space<hbm>>) target(%dma_start3A_169 : memref<80x64xf32, #tpu.memory_space<vmem>>) offsets(%dma_start3A_172 : memref<80xi32, #tpu.memory_space<vmem>>) semaphore(%arg12 : memref<!tpu.dma_semaphore, #tpu.memory_space<semaphore_mem>>)
      %scan3A_176 = arith.constant 0 : i32
      %scan3A_177 = arith.constant 0 : i32
      %scan3A_178 = arith.constant 400 : i32
      %scan3A_179 = arith.addi %scan3A_177, %scan3A_178 : i32
      %scan3A_180 = arith.constant 4 : i32
      scf.for %scan3A_260 = %scan3A_177 to %scan3A_179 step %scan3A_180  : i32 {
        %get3A = arith.index_cast %scan3A_260 : i32 to index
        %get3A_261 = arith.constant 0 : index
        %get3A_262 = tpu.vector_load %arg10[%get3A, %get3A_261] {strides = array<i32>} : memref<400x64xf32, #tpu.memory_space<vmem>>, vector<1x16xf32>,
        %get3A_263 = vector.shape_cast %get3A_262 : vector<1x16xf32> to vector<16xf32>
        %swap3A = arith.index_cast %scan3A_260 : i32 to index
        %swap3A_264 = arith.constant 0 : index
        %swap3A_265 = tpu.vector_load %arg8[%swap3A, %swap3A_264] {strides = array<i32>} : memref<400x64xf32, #tpu.memory_space<vmem>>, vector<1x16xf32>,
        %swap3A_266 = vector.shape_cast %swap3A_265 : vector<1x16xf32> to vector<16xf32>
        %swap3A_267 = vector.shape_cast %get3A_263 : vector<16xf32> to vector<1x16xf32>
        tpu.vector_store %arg8[%swap3A, %swap3A_264], %swap3A_267 {add = true, strides = array<i32>} : memref<400x64xf32, #tpu.memory_space<vmem>>, vector<1x16xf32>,
        %get3A_268 = arith.index_cast %scan3A_260 : i32 to index
        %get3A_269 = arith.constant 16 : index
        %get3A_270 = tpu.vector_load %arg10[%get3A_268, %get3A_269] {strides = array<i32>} : memref<400x64xf32, #tpu.memory_space<vmem>>, vector<1x16xf32>,
        %get3A_271 = vector.shape_cast %get3A_270 : vector<1x16xf32> to vector<16xf32>
        %swap3A_272 = arith.index_cast %scan3A_260 : i32 to index
        %swap3A_273 = arith.constant 16 : index
        %swap3A_274 = tpu.vector_load %arg8[%swap3A_272, %swap3A_273] {strides = array<i32>} : memref<400x64xf32, #tpu.memory_space<vmem>>, vector<1x16xf32>,
        %swap3A_275 = vector.shape_cast %swap3A_274 : vector<1x16xf32> to vector<16xf32>
        %swap3A_276 = vector.shape_cast %get3A_271 : vector<16xf32> to vector<1x16xf32>
        tpu.vector_store %arg8[%swap3A_272, %swap3A_273], %swap3A_276 {add = true, strides = array<i32>} : memref<400x64xf32, #tpu.memory_space<vmem>>, vector<1x16xf32>,
        %get3A_277 = arith.index_cast %scan3A_260 : i32 to index
        %get3A_278 = arith.constant 32 : index
        %get3A_279 = tpu.vector_load %arg10[%get3A_277, %get3A_278] {strides = array<i32>} : memref<400x64xf32, #tpu.memory_space<vmem>>, vector<1x16xf32>,
        %get3A_280 = vector.shape_cast %get3A_279 : vector<1x16xf32> to vector<16xf32>
        %swap3A_281 = arith.index_cast %scan3A_260 : i32 to index
        %swap3A_282 = arith.constant 32 : index
        %swap3A_283 = tpu.vector_load %arg8[%swap3A_281, %swap3A_282] {strides = array<i32>} : memref<400x64xf32, #tpu.memory_space<vmem>>, vector<1x16xf32>,
        %swap3A_284 = vector.shape_cast %swap3A_283 : vector<1x16xf32> to vector<16xf32>
        %swap3A_285 = vector.shape_cast %get3A_280 : vector<16xf32> to vector<1x16xf32>
        tpu.vector_store %arg8[%swap3A_281, %swap3A_282], %swap3A_285 {add = true, strides = array<i32>} : memref<400x64xf32, #tpu.memory_space<vmem>>, vector<1x16xf32>,
        %get3A_286 = arith.index_cast %scan3A_260 : i32 to index
        %get3A_287 = arith.constant 48 : index
        %get3A_288 = tpu.vector_load %arg10[%get3A_286, %get3A_287] {strides = array<i32>} : memref<400x64xf32, #tpu.memory_space<vmem>>, vector<1x16xf32>,
        %get3A_289 = vector.shape_cast %get3A_288 : vector<1x16xf32> to vector<16xf32>
        %swap3A_290 = arith.index_cast %scan3A_260 : i32 to index
        %swap3A_291 = arith.constant 48 : index
        %swap3A_292 = tpu.vector_load %arg8[%swap3A_290, %swap3A_291] {strides = array<i32>} : memref<400x64xf32, #tpu.memory_space<vmem>>, vector<1x16xf32>,
        %swap3A_293 = vector.shape_cast %swap3A_292 : vector<1x16xf32> to vector<16xf32>
        %swap3A_294 = vector.shape_cast %get3A_289 : vector<16xf32> to vector<1x16xf32>
        tpu.vector_store %arg8[%swap3A_290, %swap3A_291], %swap3A_294 {add = true, strides = array<i32>} : memref<400x64xf32, #tpu.memory_space<vmem>>, vector<1x16xf32>,
        %scan3A_295 = arith.constant 1 : i32
        %scan3A_296 = arith.addi %scan3A_260, %scan3A_295 : i32
        %get3A_297 = arith.index_cast %scan3A_296 : i32 to index
        %get3A_298 = arith.constant 0 : index
        %get3A_299 = tpu.vector_load %arg10[%get3A_297, %get3A_298] {strides = array<i32>} : memref<400x64xf32, #tpu.memory_space<vmem>>, vector<1x16xf32>,
        %get3A_300 = vector.shape_cast %get3A_299 : vector<1x16xf32> to vector<16xf32>
        %swap3A_301 = arith.index_cast %scan3A_296 : i32 to index
        %swap3A_302 = arith.constant 0 : index
        %swap3A_303 = tpu.vector_load %arg8[%swap3A_301, %swap3A_302] {strides = array<i32>} : memref<400x64xf32, #tpu.memory_space<vmem>>, vector<1x16xf32>,
        %swap3A_304 = vector.shape_cast %swap3A_303 : vector<1x16xf32> to vector<16xf32>
        %swap3A_305 = vector.shape_cast %get3A_300 : vector<16xf32> to vector<1x16xf32>
        tpu.vector_store %arg8[%swap3A_301, %swap3A_302], %swap3A_305 {add = true, strides = array<i32>} : memref<400x64xf32, #tpu.memory_space<vmem>>, vector<1x16xf32>,
        %get3A_306 = arith.index_cast %scan3A_296 : i32 to index
        %get3A_307 = arith.constant 16 : index
        %get3A_308 = tpu.vector_load %arg10[%get3A_306, %get3A_307] {strides = array<i32>} : memref<400x64xf32, #tpu.memory_space<vmem>>, vector<1x16xf32>,
        %get3A_309 = vector.shape_cast %get3A_308 : vector<1x16xf32> to vector<16xf32>
        %swap3A_310 = arith.index_cast %scan3A_296 : i32 to index
        %swap3A_311 = arith.constant 16 : index
        %swap3A_312 = tpu.vector_load %arg8[%swap3A_310, %swap3A_311] {strides = array<i32>} : memref<400x64xf32, #tpu.memory_space<vmem>>, vector<1x16xf32>,
        %swap3A_313 = vector.shape_cast %swap3A_312 : vector<1x16xf32> to vector<16xf32>
        %swap3A_314 = vector.shape_cast %get3A_309 : vector<16xf32> to vector<1x16xf32>
        tpu.vector_store %arg8[%swap3A_310, %swap3A_311], %swap3A_314 {add = true, strides = array<i32>} : memref<400x64xf32, #tpu.memory_space<vmem>>, vector<1x16xf32>,
        %get3A_315 = arith.index_cast %scan3A_296 : i32 to index
        %get3A_316 = arith.constant 32 : index
        %get3A_317 = tpu.vector_load %arg10[%get3A_315, %get3A_316] {strides = array<i32>} : memref<400x64xf32, #tpu.memory_space<vmem>>, vector<1x16xf32>,
        %get3A_318 = vector.shape_cast %get3A_317 : vector<1x16xf32> to vector<16xf32>
        %swap3A_319 = arith.index_cast %scan3A_296 : i32 to index
        %swap3A_320 = arith.constant 32 : index
        %swap3A_321 = tpu.vector_load %arg8[%swap3A_319, %swap3A_320] {strides = array<i32>} : memref<400x64xf32, #tpu.memory_space<vmem>>, vector<1x16xf32>,
        %swap3A_322 = vector.shape_cast %swap3A_321 : vector<1x16xf32> to vector<16xf32>
        %swap3A_323 = vector.shape_cast %get3A_318 : vector<16xf32> to vector<1x16xf32>
        tpu.vector_store %arg8[%swap3A_319, %swap3A_320], %swap3A_323 {add = true, strides = array<i32>} : memref<400x64xf32, #tpu.memory_space<vmem>>, vector<1x16xf32>,
        %get3A_324 = arith.index_cast %scan3A_296 : i32 to index
        %get3A_325 = arith.constant 48 : index
        %get3A_326 = tpu.vector_load %arg10[%get3A_324, %get3A_325] {strides = array<i32>} : memref<400x64xf32, #tpu.memory_space<vmem>>, vector<1x16xf32>,
        %get3A_327 = vector.shape_cast %get3A_326 : vector<1x16xf32> to vector<16xf32>
        %swap3A_328 = arith.index_cast %scan3A_296 : i32 to index
        %swap3A_329 = arith.constant 48 : index
        %swap3A_330 = tpu.vector_load %arg8[%swap3A_328, %swap3A_329] {strides = array<i32>} : memref<400x64xf32, #tpu.memory_space<vmem>>, vector<1x16xf32>,
        %swap3A_331 = vector.shape_cast %swap3A_330 : vector<1x16xf32> to vector<16xf32>
        %swap3A_332 = vector.shape_cast %get3A_327 : vector<16xf32> to vector<1x16xf32>
        tpu.vector_store %arg8[%swap3A_328, %swap3A_329], %swap3A_332 {add = true, strides = array<i32>} : memref<400x64xf32, #tpu.memory_space<vmem>>, vector<1x16xf32>,
        %scan3A_333 = arith.constant 2 : i32
        %scan3A_334 = arith.addi %scan3A_260, %scan3A_333 : i32
        %get3A_335 = arith.index_cast %scan3A_334 : i32 to index
        %get3A_336 = arith.constant 0 : index
        %get3A_337 = tpu.vector_load %arg10[%get3A_335, %get3A_336] {strides = array<i32>} : memref<400x64xf32, #tpu.memory_space<vmem>>, vector<1x16xf32>,
        %get3A_338 = vector.shape_cast %get3A_337 : vector<1x16xf32> to vector<16xf32>
        %swap3A_339 = arith.index_cast %scan3A_334 : i32 to index
        %swap3A_340 = arith.constant 0 : index
        %swap3A_341 = tpu.vector_load %arg8[%swap3A_339, %swap3A_340] {strides = array<i32>} : memref<400x64xf32, #tpu.memory_space<vmem>>, vector<1x16xf32>,
        %swap3A_342 = vector.shape_cast %swap3A_341 : vector<1x16xf32> to vector<16xf32>
        %swap3A_343 = vector.shape_cast %get3A_338 : vector<16xf32> to vector<1x16xf32>
        tpu.vector_store %arg8[%swap3A_339, %swap3A_340], %swap3A_343 {add = true, strides = array<i32>} : memref<400x64xf32, #tpu.memory_space<vmem>>, vector<1x16xf32>,
        %get3A_344 = arith.index_cast %scan3A_334 : i32 to index
        %get3A_345 = arith.constant 16 : index
        %get3A_346 = tpu.vector_load %arg10[%get3A_344, %get3A_345] {strides = array<i32>} : memref<400x64xf32, #tpu.memory_space<vmem>>, vector<1x16xf32>,
        %get3A_347 = vector.shape_cast %get3A_346 : vector<1x16xf32> to vector<16xf32>
        %swap3A_348 = arith.index_cast %scan3A_334 : i32 to index
        %swap3A_349 = arith.constant 16 : index
        %swap3A_350 = tpu.vector_load %arg8[%swap3A_348, %swap3A_349] {strides = array<i32>} : memref<400x64xf32, #tpu.memory_space<vmem>>, vector<1x16xf32>,
        %swap3A_351 = vector.shape_cast %swap3A_350 : vector<1x16xf32> to vector<16xf32>
        %swap3A_352 = vector.shape_cast %get3A_347 : vector<16xf32> to vector<1x16xf32>
        tpu.vector_store %arg8[%swap3A_348, %swap3A_349], %swap3A_352 {add = true, strides = array<i32>} : memref<400x64xf32, #tpu.memory_space<vmem>>, vector<1x16xf32>,
        %get3A_353 = arith.index_cast %scan3A_334 : i32 to index
        %get3A_354 = arith.constant 32 : index
        %get3A_355 = tpu.vector_load %arg10[%get3A_353, %get3A_354] {strides = array<i32>} : memref<400x64xf32, #tpu.memory_space<vmem>>, vector<1x16xf32>,
        %get3A_356 = vector.shape_cast %get3A_355 : vector<1x16xf32> to vector<16xf32>
        %swap3A_357 = arith.index_cast %scan3A_334 : i32 to index
        %swap3A_358 = arith.constant 32 : index
        %swap3A_359 = tpu.vector_load %arg8[%swap3A_357, %swap3A_358] {strides = array<i32>} : memref<400x64xf32, #tpu.memory_space<vmem>>, vector<1x16xf32>,
        %swap3A_360 = vector.shape_cast %swap3A_359 : vector<1x16xf32> to vector<16xf32>
        %swap3A_361 = vector.shape_cast %get3A_356 : vector<16xf32> to vector<1x16xf32>
        tpu.vector_store %arg8[%swap3A_357, %swap3A_358], %swap3A_361 {add = true, strides = array<i32>} : memref<400x64xf32, #tpu.memory_space<vmem>>, vector<1x16xf32>,
        %get3A_362 = arith.index_cast %scan3A_334 : i32 to index
        %get3A_363 = arith.constant 48 : index
        %get3A_364 = tpu.vector_load %arg10[%get3A_362, %get3A_363] {strides = array<i32>} : memref<400x64xf32, #tpu.memory_space<vmem>>, vector<1x16xf32>,
        %get3A_365 = vector.shape_cast %get3A_364 : vector<1x16xf32> to vector<16xf32>
        %swap3A_366 = arith.index_cast %scan3A_334 : i32 to index
        %swap3A_367 = arith.constant 48 : index
        %swap3A_368 = tpu.vector_load %arg8[%swap3A_366, %swap3A_367] {strides = array<i32>} : memref<400x64xf32, #tpu.memory_space<vmem>>, vector<1x16xf32>,
        %swap3A_369 = vector.shape_cast %swap3A_368 : vector<1x16xf32> to vector<16xf32>
        %swap3A_370 = vector.shape_cast %get3A_365 : vector<16xf32> to vector<1x16xf32>
        tpu.vector_store %arg8[%swap3A_366, %swap3A_367], %swap3A_370 {add = true, strides = array<i32>} : memref<400x64xf32, #tpu.memory_space<vmem>>, vector<1x16xf32>,
        %scan3A_371 = arith.constant 3 : i32
        %scan3A_372 = arith.addi %scan3A_260, %scan3A_371 : i32
        %get3A_373 = arith.index_cast %scan3A_372 : i32 to index
        %get3A_374 = arith.constant 0 : index
        %get3A_375 = tpu.vector_load %arg10[%get3A_373, %get3A_374] {strides = array<i32>} : memref<400x64xf32, #tpu.memory_space<vmem>>, vector<1x16xf32>,
        %get3A_376 = vector.shape_cast %get3A_375 : vector<1x16xf32> to vector<16xf32>
        %swap3A_377 = arith.index_cast %scan3A_372 : i32 to index
        %swap3A_378 = arith.constant 0 : index
        %swap3A_379 = tpu.vector_load %arg8[%swap3A_377, %swap3A_378] {strides = array<i32>} : memref<400x64xf32, #tpu.memory_space<vmem>>, vector<1x16xf32>,
        %swap3A_380 = vector.shape_cast %swap3A_379 : vector<1x16xf32> to vector<16xf32>
        %swap3A_381 = vector.shape_cast %get3A_376 : vector<16xf32> to vector<1x16xf32>
        tpu.vector_store %arg8[%swap3A_377, %swap3A_378], %swap3A_381 {add = true, strides = array<i32>} : memref<400x64xf32, #tpu.memory_space<vmem>>, vector<1x16xf32>,
        %get3A_382 = arith.index_cast %scan3A_372 : i32 to index
        %get3A_383 = arith.constant 16 : index
        %get3A_384 = tpu.vector_load %arg10[%get3A_382, %get3A_383] {strides = array<i32>} : memref<400x64xf32, #tpu.memory_space<vmem>>, vector<1x16xf32>,
        %get3A_385 = vector.shape_cast %get3A_384 : vector<1x16xf32> to vector<16xf32>
        %swap3A_386 = arith.index_cast %scan3A_372 : i32 to index
        %swap3A_387 = arith.constant 16 : index
        %swap3A_388 = tpu.vector_load %arg8[%swap3A_386, %swap3A_387] {strides = array<i32>} : memref<400x64xf32, #tpu.memory_space<vmem>>, vector<1x16xf32>,
        %swap3A_389 = vector.shape_cast %swap3A_388 : vector<1x16xf32> to vector<16xf32>
        %swap3A_390 = vector.shape_cast %get3A_385 : vector<16xf32> to vector<1x16xf32>
        tpu.vector_store %arg8[%swap3A_386, %swap3A_387], %swap3A_390 {add = true, strides = array<i32>} : memref<400x64xf32, #tpu.memory_space<vmem>>, vector<1x16xf32>,
        %get3A_391 = arith.index_cast %scan3A_372 : i32 to index
        %get3A_392 = arith.constant 32 : index
        %get3A_393 = tpu.vector_load %arg10[%get3A_391, %get3A_392] {strides = array<i32>} : memref<400x64xf32, #tpu.memory_space<vmem>>, vector<1x16xf32>,
        %get3A_394 = vector.shape_cast %get3A_393 : vector<1x16xf32> to vector<16xf32>
        %swap3A_395 = arith.index_cast %scan3A_372 : i32 to index
        %swap3A_396 = arith.constant 32 : index
        %swap3A_397 = tpu.vector_load %arg8[%swap3A_395, %swap3A_396] {strides = array<i32>} : memref<400x64xf32, #tpu.memory_space<vmem>>, vector<1x16xf32>,
        %swap3A_398 = vector.shape_cast %swap3A_397 : vector<1x16xf32> to vector<16xf32>
        %swap3A_399 = vector.shape_cast %get3A_394 : vector<16xf32> to vector<1x16xf32>
        tpu.vector_store %arg8[%swap3A_395, %swap3A_396], %swap3A_399 {add = true, strides = array<i32>} : memref<400x64xf32, #tpu.memory_space<vmem>>, vector<1x16xf32>,
        %get3A_400 = arith.index_cast %scan3A_372 : i32 to index
        %get3A_401 = arith.constant 48 : index
        %get3A_402 = tpu.vector_load %arg10[%get3A_400, %get3A_401] {strides = array<i32>} : memref<400x64xf32, #tpu.memory_space<vmem>>, vector<1x16xf32>,
        %get3A_403 = vector.shape_cast %get3A_402 : vector<1x16xf32> to vector<16xf32>
        %swap3A_404 = arith.index_cast %scan3A_372 : i32 to index
        %swap3A_405 = arith.constant 48 : index
        %swap3A_406 = tpu.vector_load %arg8[%swap3A_404, %swap3A_405] {strides = array<i32>} : memref<400x64xf32, #tpu.memory_space<vmem>>, vector<1x16xf32>,
        %swap3A_407 = vector.shape_cast %swap3A_406 : vector<1x16xf32> to vector<16xf32>
        %swap3A_408 = vector.shape_cast %get3A_403 : vector<16xf32> to vector<1x16xf32>
        tpu.vector_store %arg8[%swap3A_404, %swap3A_405], %swap3A_408 {add = true, strides = array<i32>} : memref<400x64xf32, #tpu.memory_space<vmem>>, vector<1x16xf32>,
      }
      %scan3A_181 = arith.constant 400 : i32
      %mul3A_182 = arith.constant 400 : i32
      %mul3A_183 = arith.muli %mul3A_66, %mul3A_182 : i32
      %add3A_184 = arith.addi %mul3A_2, %mul3A_183 : i32
      %dma_start3A_185 = arith.constant 0 : i32
      %dma_start3A_186 = tpu.memref_slice %arg5[%add3A_184, %dma_start3A_185] : memref<819200x64xf32, #tpu.memory_space<hbm>> -> memref<400x64xf32, #tpu.memory_space<hbm>>
      %dma_start3A_187 = arith.constant 0 : i32
      %dma_start3A_188 = tpu.memref_slice %arg5[%add3A_184, %dma_start3A_187] : memref<819200x64xf32, #tpu.memory_space<hbm>> -> memref<400x64xf32, #tpu.memory_space<hbm>>
      tpu.enqueue_dma source(%arg8 : memref<400x64xf32, #tpu.memory_space<vmem>>) target(%dma_start3A_188 : memref<400x64xf32, #tpu.memory_space<hbm>>) target_semaphore(%arg13 : memref<!tpu.dma_semaphore, #tpu.memory_space<semaphore_mem>>)
      %dma_wait3A_189 = arith.constant 0 : i32
      %dma_wait3A_190 = arith.constant 0 : i32
      %dma_wait3A_191 = arith.constant 0 : i32
      %dma_wait3A_192 = tpu.memref_slice %arg9[%dma_wait3A_190, %dma_wait3A_191] : memref<400x64xf32, #tpu.memory_space<vmem>> -> memref<80x64xf32, #tpu.memory_space<vmem>>
      %dma_wait3A_193 = arith.constant 0 : i32
      %dma_wait3A_194 = tpu.memref_slice %arg7[%dma_wait3A_189, %dma_wait3A_193] : memref<5x80xi32, #tpu.memory_space<vmem>> -> memref<1x80xi32, #tpu.memory_space<vmem>>
      %dma_wait3A_195 = tpu.memref_squeeze %dma_wait3A_194 : memref<1x80xi32, #tpu.memory_space<vmem>> -> memref<80xi32, #tpu.memory_space<vmem>>
      %dma_wait3A_196 = arith.constant 0 : i32
      %dma_wait3A_197 = arith.constant 0 : i32
      %dma_wait3A_198 = tpu.memref_slice %arg4[%dma_wait3A_196, %dma_wait3A_197] : memref<1000000x64xf32, #tpu.memory_space<hbm>> -> memref<1000000x64xf32, #tpu.memory_space<hbm>>
      tpu.wait_indirect_dma semaphore(%arg12 : memref<!tpu.dma_semaphore, #tpu.memory_space<semaphore_mem>>) src(%dma_wait3A_198 : memref<1000000x64xf32, #tpu.memory_space<hbm>>) dst(%dma_wait3A_192 : memref<80x64xf32, #tpu.memory_space<vmem>>)
      %dma_wait3A_199 = arith.constant 1 : i32
      %dma_wait3A_200 = arith.constant 80 : i32
      %dma_wait3A_201 = arith.constant 0 : i32
      %dma_wait3A_202 = tpu.memref_slice %arg9[%dma_wait3A_200, %dma_wait3A_201] : memref<400x64xf32, #tpu.memory_space<vmem>> -> memref<80x64xf32, #tpu.memory_space<vmem>>
      %dma_wait3A_203 = arith.constant 0 : i32
      %dma_wait3A_204 = tpu.memref_slice %arg7[%dma_wait3A_199, %dma_wait3A_203] : memref<5x80xi32, #tpu.memory_space<vmem>> -> memref<1x80xi32, #tpu.memory_space<vmem>>
      %dma_wait3A_205 = tpu.memref_squeeze %dma_wait3A_204 : memref<1x80xi32, #tpu.memory_space<vmem>> -> memref<80xi32, #tpu.memory_space<vmem>>
      %dma_wait3A_206 = arith.constant 0 : i32
      %dma_wait3A_207 = arith.constant 0 : i32
      %dma_wait3A_208 = tpu.memref_slice %arg4[%dma_wait3A_206, %dma_wait3A_207] : memref<1000000x64xf32, #tpu.memory_space<hbm>> -> memref<1000000x64xf32, #tpu.memory_space<hbm>>
      tpu.wait_indirect_dma semaphore(%arg12 : memref<!tpu.dma_semaphore, #tpu.memory_space<semaphore_mem>>) src(%dma_wait3A_208 : memref<1000000x64xf32, #tpu.memory_space<hbm>>) dst(%dma_wait3A_202 : memref<80x64xf32, #tpu.memory_space<vmem>>)
      %dma_wait3A_209 = arith.constant 2 : i32
      %dma_wait3A_210 = arith.constant 160 : i32
      %dma_wait3A_211 = arith.constant 0 : i32
      %dma_wait3A_212 = tpu.memref_slice %arg9[%dma_wait3A_210, %dma_wait3A_211] : memref<400x64xf32, #tpu.memory_space<vmem>> -> memref<80x64xf32, #tpu.memory_space<vmem>>
      %dma_wait3A_213 = arith.constant 0 : i32
      %dma_wait3A_214 = tpu.memref_slice %arg7[%dma_wait3A_209, %dma_wait3A_213] : memref<5x80xi32, #tpu.memory_space<vmem>> -> memref<1x80xi32, #tpu.memory_space<vmem>>
      %dma_wait3A_215 = tpu.memref_squeeze %dma_wait3A_214 : memref<1x80xi32, #tpu.memory_space<vmem>> -> memref<80xi32, #tpu.memory_space<vmem>>
      %dma_wait3A_216 = arith.constant 0 : i32
      %dma_wait3A_217 = arith.constant 0 : i32
      %dma_wait3A_218 = tpu.memref_slice %arg4[%dma_wait3A_216, %dma_wait3A_217] : memref<1000000x64xf32, #tpu.memory_space<hbm>> -> memref<1000000x64xf32, #tpu.memory_space<hbm>>
      tpu.wait_indirect_dma semaphore(%arg12 : memref<!tpu.dma_semaphore, #tpu.memory_space<semaphore_mem>>) src(%dma_wait3A_218 : memref<1000000x64xf32, #tpu.memory_space<hbm>>) dst(%dma_wait3A_212 : memref<80x64xf32, #tpu.memory_space<vmem>>)
      %dma_wait3A_219 = arith.constant 3 : i32
      %dma_wait3A_220 = arith.constant 240 : i32
      %dma_wait3A_221 = arith.constant 0 : i32
      %dma_wait3A_222 = tpu.memref_slice %arg9[%dma_wait3A_220, %dma_wait3A_221] : memref<400x64xf32, #tpu.memory_space<vmem>> -> memref<80x64xf32, #tpu.memory_space<vmem>>
      %dma_wait3A_223 = arith.constant 0 : i32
      %dma_wait3A_224 = tpu.memref_slice %arg7[%dma_wait3A_219, %dma_wait3A_223] : memref<5x80xi32, #tpu.memory_space<vmem>> -> memref<1x80xi32, #tpu.memory_space<vmem>>
      %dma_wait3A_225 = tpu.memref_squeeze %dma_wait3A_224 : memref<1x80xi32, #tpu.memory_space<vmem>> -> memref<80xi32, #tpu.memory_space<vmem>>
      %dma_wait3A_226 = arith.constant 0 : i32
      %dma_wait3A_227 = arith.constant 0 : i32
      %dma_wait3A_228 = tpu.memref_slice %arg4[%dma_wait3A_226, %dma_wait3A_227] : memref<1000000x64xf32, #tpu.memory_space<hbm>> -> memref<1000000x64xf32, #tpu.memory_space<hbm>>
      tpu.wait_indirect_dma semaphore(%arg12 : memref<!tpu.dma_semaphore, #tpu.memory_space<semaphore_mem>>) src(%dma_wait3A_228 : memref<1000000x64xf32, #tpu.memory_space<hbm>>) dst(%dma_wait3A_222 : memref<80x64xf32, #tpu.memory_space<vmem>>)
      %dma_wait3A_229 = arith.constant 4 : i32
      %dma_wait3A_230 = arith.constant 320 : i32
      %dma_wait3A_231 = arith.constant 0 : i32
      %dma_wait3A_232 = tpu.memref_slice %arg9[%dma_wait3A_230, %dma_wait3A_231] : memref<400x64xf32, #tpu.memory_space<vmem>> -> memref<80x64xf32, #tpu.memory_space<vmem>>
      %dma_wait3A_233 = arith.constant 0 : i32
      %dma_wait3A_234 = tpu.memref_slice %arg7[%dma_wait3A_229, %dma_wait3A_233] : memref<5x80xi32, #tpu.memory_space<vmem>> -> memref<1x80xi32, #tpu.memory_space<vmem>>
      %dma_wait3A_235 = tpu.memref_squeeze %dma_wait3A_234 : memref<1x80xi32, #tpu.memory_space<vmem>> -> memref<80xi32, #tpu.memory_space<vmem>>
      %dma_wait3A_236 = arith.constant 0 : i32
      %dma_wait3A_237 = arith.constant 0 : i32
      %dma_wait3A_238 = tpu.memref_slice %arg4[%dma_wait3A_236, %dma_wait3A_237] : memref<1000000x64xf32, #tpu.memory_space<hbm>> -> memref<1000000x64xf32, #tpu.memory_space<hbm>>
      tpu.wait_indirect_dma semaphore(%arg12 : memref<!tpu.dma_semaphore, #tpu.memory_space<semaphore_mem>>) src(%dma_wait3A_238 : memref<1000000x64xf32, #tpu.memory_space<hbm>>) dst(%dma_wait3A_232 : memref<80x64xf32, #tpu.memory_space<vmem>>)
      %dma_wait3A_239 = arith.constant 0 : i32
      %dma_wait3A_240 = tpu.memref_slice %arg5[%mul3A_2, %dma_wait3A_239] : memref<819200x64xf32, #tpu.memory_space<hbm>> -> memref<400x64xf32, #tpu.memory_space<hbm>>
      %dma_wait3A_241 = arith.constant 0 : i32
      %dma_wait3A_242 = tpu.memref_slice %arg5[%mul3A_2, %dma_wait3A_241] : memref<819200x64xf32, #tpu.memory_space<hbm>> -> memref<400x64xf32, #tpu.memory_space<hbm>>
      tpu.wait_dma2 semaphore(%arg13 : memref<!tpu.dma_semaphore, #tpu.memory_space<semaphore_mem>>) src(%arg8 : memref<400x64xf32, #tpu.memory_space<vmem>>) dst(%dma_wait3A_242 : memref<400x64xf32, #tpu.memory_space<hbm>>)
      %lt3A = arith.constant 31 : i32
      %lt3A_243 = arith.cmpi slt, %scan3A_64, %lt3A : i32
      %convert_element_type3A_244 = arith.extui %lt3A_243 : i1 to i32
      %cond3A_245 = arith.constant 0 : i32
      %cond3A_246 = arith.cmpi ne, %convert_element_type3A_244, %cond3A_245 : i32
      scf.if %cond3A_246 {
        %add3A_260 = arith.constant 2 : i32
        %add3A_261 = arith.addi %mul3A_66, %add3A_260 : i32
        %mul3A_262 = arith.constant 64 : i32
        %mul3A_263 = arith.muli %add3A, %mul3A_262 : i32
        %add3A_264 = arith.addi %mul3A_263, %add3A_261 : i32
        "tpu.region"() ({
          %run_scoped3A = tpu.sem_alloc : memref<!tpu.dma_semaphore, #tpu.memory_space<semaphore_mem>>
          %dma_start3A_315 = arith.constant 0 : i32
          %dma_start3A_316 = arith.constant 0 : i32
          %dma_start3A_317 = tpu.memref_slice %arg2[%add3A_264, %dma_start3A_315, %dma_start3A_316] : memref<2048x5x80xi32, #tpu.memory_space<hbm>> -> memref<1x5x80xi32, #tpu.memory_space<hbm>>
          %dma_start3A_318 = tpu.memref_squeeze %dma_start3A_317 : memref<1x5x80xi32, #tpu.memory_space<hbm>> -> memref<5x80xi32, #tpu.memory_space<hbm>>
          %dma_start3A_319 = arith.constant 0 : i32
          %dma_start3A_320 = arith.constant 0 : i32
          %dma_start3A_321 = tpu.memref_slice %arg2[%add3A_264, %dma_start3A_319, %dma_start3A_320] : memref<2048x5x80xi32, #tpu.memory_space<hbm>> -> memref<1x5x80xi32, #tpu.memory_space<hbm>>
          %dma_start3A_322 = tpu.memref_squeeze %dma_start3A_321 : memref<1x5x80xi32, #tpu.memory_space<hbm>> -> memref<5x80xi32, #tpu.memory_space<hbm>>
          tpu.enqueue_dma source(%dma_start3A_322 : memref<5x80xi32, #tpu.memory_space<hbm>>) target(%arg6 : memref<5x80xi32, #tpu.memory_space<vmem>>) target_semaphore(%run_scoped3A : memref<!tpu.dma_semaphore, #tpu.memory_space<semaphore_mem>>)
          %dma_wait3A_323 = arith.constant 0 : i32
          %dma_wait3A_324 = arith.constant 0 : i32
          %dma_wait3A_325 = tpu.memref_slice %arg2[%add3A_264, %dma_wait3A_323, %dma_wait3A_324] : memref<2048x5x80xi32, #tpu.memory_space<hbm>> -> memref<1x5x80xi32, #tpu.memory_space<hbm>>
          %dma_wait3A_326 = tpu.memref_squeeze %dma_wait3A_325 : memref<1x5x80xi32, #tpu.memory_space<hbm>> -> memref<5x80xi32, #tpu.memory_space<hbm>>
          %dma_wait3A_327 = arith.constant 0 : i32
          %dma_wait3A_328 = arith.constant 0 : i32
          %dma_wait3A_329 = tpu.memref_slice %arg2[%add3A_264, %dma_wait3A_327, %dma_wait3A_328] : memref<2048x5x80xi32, #tpu.memory_space<hbm>> -> memref<1x5x80xi32, #tpu.memory_space<hbm>>
          %dma_wait3A_330 = tpu.memref_squeeze %dma_wait3A_329 : memref<1x5x80xi32, #tpu.memory_space<hbm>> -> memref<5x80xi32, #tpu.memory_space<hbm>>
          tpu.wait_dma2 semaphore(%run_scoped3A : memref<!tpu.dma_semaphore, #tpu.memory_space<semaphore_mem>>) src(%dma_wait3A_330 : memref<5x80xi32, #tpu.memory_space<hbm>>) dst(%arg6 : memref<5x80xi32, #tpu.memory_space<vmem>>)
          tpu.yield
        }) : () -> ()
        %dma_start3A_265 = arith.constant 0 : i32
        %dma_start3A_266 = arith.constant 0 : i32
        %dma_start3A_267 = arith.constant 0 : i32
        %dma_start3A_268 = tpu.memref_slice %arg8[%dma_start3A_266, %dma_start3A_267] : memref<400x64xf32, #tpu.memory_space<vmem>> -> memref<80x64xf32, #tpu.memory_space<vmem>>
        %dma_start3A_269 = arith.constant 0 : i32
        %dma_start3A_270 = tpu.memref_slice %arg6[%dma_start3A_265, %dma_start3A_269] : memref<5x80xi32, #tpu.memory_space<vmem>> -> memref<1x80xi32, #tpu.memory_space<vmem>>
        %dma_start3A_271 = tpu.memref_squeeze %dma_start3A_270 : memref<1x80xi32, #tpu.memory_space<vmem>> -> memref<80xi32, #tpu.memory_space<vmem>>
        %dma_start3A_272 = arith.constant 0 : i32
        %dma_start3A_273 = arith.constant 0 : i32
        %dma_start3A_274 = tpu.memref_slice %arg4[%dma_start3A_272, %dma_start3A_273] : memref<1000000x64xf32, #tpu.memory_space<hbm>> -> memref<1000000x64xf32, #tpu.memory_space<hbm>>
        tpu.enqueue_indirect_dma source(%dma_start3A_274 : memref<1000000x64xf32, #tpu.memory_space<hbm>>) target(%dma_start3A_268 : memref<80x64xf32, #tpu.memory_space<vmem>>) offsets(%dma_start3A_271 : memref<80xi32, #tpu.memory_space<vmem>>) semaphore(%arg11 : memref<!tpu.dma_semaphore, #tpu.memory_space<semaphore_mem>>)
        %dma_start3A_275 = arith.constant 1 : i32
        %dma_start3A_276 = arith.constant 80 : i32
        %dma_start3A_277 = arith.constant 0 : i32
        %dma_start3A_278 = tpu.memref_slice %arg8[%dma_start3A_276, %dma_start3A_277] : memref<400x64xf32, #tpu.memory_space<vmem>> -> memref<80x64xf32, #tpu.memory_space<vmem>>
        %dma_start3A_279 = arith.constant 0 : i32
        %dma_start3A_280 = tpu.memref_slice %arg6[%dma_start3A_275, %dma_start3A_279] : memref<5x80xi32, #tpu.memory_space<vmem>> -> memref<1x80xi32, #tpu.memory_space<vmem>>
        %dma_start3A_281 = tpu.memref_squeeze %dma_start3A_280 : memref<1x80xi32, #tpu.memory_space<vmem>> -> memref<80xi32, #tpu.memory_space<vmem>>
        %dma_start3A_282 = arith.constant 0 : i32
        %dma_start3A_283 = arith.constant 0 : i32
        %dma_start3A_284 = tpu.memref_slice %arg4[%dma_start3A_282, %dma_start3A_283] : memref<1000000x64xf32, #tpu.memory_space<hbm>> -> memref<1000000x64xf32, #tpu.memory_space<hbm>>
        tpu.enqueue_indirect_dma source(%dma_start3A_284 : memref<1000000x64xf32, #tpu.memory_space<hbm>>) target(%dma_start3A_278 : memref<80x64xf32, #tpu.memory_space<vmem>>) offsets(%dma_start3A_281 : memref<80xi32, #tpu.memory_space<vmem>>) semaphore(%arg11 : memref<!tpu.dma_semaphore, #tpu.memory_space<semaphore_mem>>)
        %dma_start3A_285 = arith.constant 2 : i32
        %dma_start3A_286 = arith.constant 160 : i32
        %dma_start3A_287 = arith.constant 0 : i32
        %dma_start3A_288 = tpu.memref_slice %arg8[%dma_start3A_286, %dma_start3A_287] : memref<400x64xf32, #tpu.memory_space<vmem>> -> memref<80x64xf32, #tpu.memory_space<vmem>>
        %dma_start3A_289 = arith.constant 0 : i32
        %dma_start3A_290 = tpu.memref_slice %arg6[%dma_start3A_285, %dma_start3A_289] : memref<5x80xi32, #tpu.memory_space<vmem>> -> memref<1x80xi32, #tpu.memory_space<vmem>>
        %dma_start3A_291 = tpu.memref_squeeze %dma_start3A_290 : memref<1x80xi32, #tpu.memory_space<vmem>> -> memref<80xi32, #tpu.memory_space<vmem>>
        %dma_start3A_292 = arith.constant 0 : i32
        %dma_start3A_293 = arith.constant 0 : i32
        %dma_start3A_294 = tpu.memref_slice %arg4[%dma_start3A_292, %dma_start3A_293] : memref<1000000x64xf32, #tpu.memory_space<hbm>> -> memref<1000000x64xf32, #tpu.memory_space<hbm>>
        tpu.enqueue_indirect_dma source(%dma_start3A_294 : memref<1000000x64xf32, #tpu.memory_space<hbm>>) target(%dma_start3A_288 : memref<80x64xf32, #tpu.memory_space<vmem>>) offsets(%dma_start3A_291 : memref<80xi32, #tpu.memory_space<vmem>>) semaphore(%arg11 : memref<!tpu.dma_semaphore, #tpu.memory_space<semaphore_mem>>)
        %dma_start3A_295 = arith.constant 3 : i32
        %dma_start3A_296 = arith.constant 240 : i32
        %dma_start3A_297 = arith.constant 0 : i32
        %dma_start3A_298 = tpu.memref_slice %arg8[%dma_start3A_296, %dma_start3A_297] : memref<400x64xf32, #tpu.memory_space<vmem>> -> memref<80x64xf32, #tpu.memory_space<vmem>>
        %dma_start3A_299 = arith.constant 0 : i32
        %dma_start3A_300 = tpu.memref_slice %arg6[%dma_start3A_295, %dma_start3A_299] : memref<5x80xi32, #tpu.memory_space<vmem>> -> memref<1x80xi32, #tpu.memory_space<vmem>>
        %dma_start3A_301 = tpu.memref_squeeze %dma_start3A_300 : memref<1x80xi32, #tpu.memory_space<vmem>> -> memref<80xi32, #tpu.memory_space<vmem>>
        %dma_start3A_302 = arith.constant 0 : i32
        %dma_start3A_303 = arith.constant 0 : i32
        %dma_start3A_304 = tpu.memref_slice %arg4[%dma_start3A_302, %dma_start3A_303] : memref<1000000x64xf32, #tpu.memory_space<hbm>> -> memref<1000000x64xf32, #tpu.memory_space<hbm>>
        tpu.enqueue_indirect_dma source(%dma_start3A_304 : memref<1000000x64xf32, #tpu.memory_space<hbm>>) target(%dma_start3A_298 : memref<80x64xf32, #tpu.memory_space<vmem>>) offsets(%dma_start3A_301 : memref<80xi32, #tpu.memory_space<vmem>>) semaphore(%arg11 : memref<!tpu.dma_semaphore, #tpu.memory_space<semaphore_mem>>)
        %dma_start3A_305 = arith.constant 4 : i32
        %dma_start3A_306 = arith.constant 320 : i32
        %dma_start3A_307 = arith.constant 0 : i32
        %dma_start3A_308 = tpu.memref_slice %arg8[%dma_start3A_306, %dma_start3A_307] : memref<400x64xf32, #tpu.memory_space<vmem>> -> memref<80x64xf32, #tpu.memory_space<vmem>>
        %dma_start3A_309 = arith.constant 0 : i32
        %dma_start3A_310 = tpu.memref_slice %arg6[%dma_start3A_305, %dma_start3A_309] : memref<5x80xi32, #tpu.memory_space<vmem>> -> memref<1x80xi32, #tpu.memory_space<vmem>>
        %dma_start3A_311 = tpu.memref_squeeze %dma_start3A_310 : memref<1x80xi32, #tpu.memory_space<vmem>> -> memref<80xi32, #tpu.memory_space<vmem>>
        %dma_start3A_312 = arith.constant 0 : i32
        %dma_start3A_313 = arith.constant 0 : i32
        %dma_start3A_314 = tpu.memref_slice %arg4[%dma_start3A_312, %dma_start3A_313] : memref<1000000x64xf32, #tpu.memory_space<hbm>> -> memref<1000000x64xf32, #tpu.memory_space<hbm>>
        tpu.enqueue_indirect_dma source(%dma_start3A_314 : memref<1000000x64xf32, #tpu.memory_space<hbm>>) target(%dma_start3A_308 : memref<80x64xf32, #tpu.memory_space<vmem>>) offsets(%dma_start3A_311 : memref<80xi32, #tpu.memory_space<vmem>>) semaphore(%arg11 : memref<!tpu.dma_semaphore, #tpu.memory_space<semaphore_mem>>)
      } else {
      }
      %scan3A_247 = arith.constant 0 : i32
      %scan3A_248 = arith.constant 0 : i32
      %scan3A_249 = arith.constant 400 : i32
      %scan3A_250 = arith.addi %scan3A_248, %scan3A_249 : i32
      %scan3A_251 = arith.constant 4 : i32
      scf.for %scan3A_260 = %scan3A_248 to %scan3A_250 step %scan3A_251  : i32 {
        %get3A = arith.index_cast %scan3A_260 : i32 to index
        %get3A_261 = arith.constant 0 : index
        %get3A_262 = tpu.vector_load %arg10[%get3A, %get3A_261] {strides = array<i32>} : memref<400x64xf32, #tpu.memory_space<vmem>>, vector<1x16xf32>,
        %get3A_263 = vector.shape_cast %get3A_262 : vector<1x16xf32> to vector<16xf32>
        %swap3A = arith.index_cast %scan3A_260 : i32 to index
        %swap3A_264 = arith.constant 0 : index
        %swap3A_265 = tpu.vector_load %arg9[%swap3A, %swap3A_264] {strides = array<i32>} : memref<400x64xf32, #tpu.memory_space<vmem>>, vector<1x16xf32>,
        %swap3A_266 = vector.shape_cast %swap3A_265 : vector<1x16xf32> to vector<16xf32>
        %swap3A_267 = vector.shape_cast %get3A_263 : vector<16xf32> to vector<1x16xf32>
        tpu.vector_store %arg9[%swap3A, %swap3A_264], %swap3A_267 {add = true, strides = array<i32>} : memref<400x64xf32, #tpu.memory_space<vmem>>, vector<1x16xf32>,
        %get3A_268 = arith.index_cast %scan3A_260 : i32 to index
        %get3A_269 = arith.constant 16 : index
        %get3A_270 = tpu.vector_load %arg10[%get3A_268, %get3A_269] {strides = array<i32>} : memref<400x64xf32, #tpu.memory_space<vmem>>, vector<1x16xf32>,
        %get3A_271 = vector.shape_cast %get3A_270 : vector<1x16xf32> to vector<16xf32>
        %swap3A_272 = arith.index_cast %scan3A_260 : i32 to index
        %swap3A_273 = arith.constant 16 : index
        %swap3A_274 = tpu.vector_load %arg9[%swap3A_272, %swap3A_273] {strides = array<i32>} : memref<400x64xf32, #tpu.memory_space<vmem>>, vector<1x16xf32>,
        %swap3A_275 = vector.shape_cast %swap3A_274 : vector<1x16xf32> to vector<16xf32>
        %swap3A_276 = vector.shape_cast %get3A_271 : vector<16xf32> to vector<1x16xf32>
        tpu.vector_store %arg9[%swap3A_272, %swap3A_273], %swap3A_276 {add = true, strides = array<i32>} : memref<400x64xf32, #tpu.memory_space<vmem>>, vector<1x16xf32>,
        %get3A_277 = arith.index_cast %scan3A_260 : i32 to index
        %get3A_278 = arith.constant 32 : index
        %get3A_279 = tpu.vector_load %arg10[%get3A_277, %get3A_278] {strides = array<i32>} : memref<400x64xf32, #tpu.memory_space<vmem>>, vector<1x16xf32>,
        %get3A_280 = vector.shape_cast %get3A_279 : vector<1x16xf32> to vector<16xf32>
        %swap3A_281 = arith.index_cast %scan3A_260 : i32 to index
        %swap3A_282 = arith.constant 32 : index
        %swap3A_283 = tpu.vector_load %arg9[%swap3A_281, %swap3A_282] {strides = array<i32>} : memref<400x64xf32, #tpu.memory_space<vmem>>, vector<1x16xf32>,
        %swap3A_284 = vector.shape_cast %swap3A_283 : vector<1x16xf32> to vector<16xf32>
        %swap3A_285 = vector.shape_cast %get3A_280 : vector<16xf32> to vector<1x16xf32>
        tpu.vector_store %arg9[%swap3A_281, %swap3A_282], %swap3A_285 {add = true, strides = array<i32>} : memref<400x64xf32, #tpu.memory_space<vmem>>, vector<1x16xf32>,
        %get3A_286 = arith.index_cast %scan3A_260 : i32 to index
        %get3A_287 = arith.constant 48 : index
        %get3A_288 = tpu.vector_load %arg10[%get3A_286, %get3A_287] {strides = array<i32>} : memref<400x64xf32, #tpu.memory_space<vmem>>, vector<1x16xf32>,
        %get3A_289 = vector.shape_cast %get3A_288 : vector<1x16xf32> to vector<16xf32>
        %swap3A_290 = arith.index_cast %scan3A_260 : i32 to index
        %swap3A_291 = arith.constant 48 : index
        %swap3A_292 = tpu.vector_load %arg9[%swap3A_290, %swap3A_291] {strides = array<i32>} : memref<400x64xf32, #tpu.memory_space<vmem>>, vector<1x16xf32>,
        %swap3A_293 = vector.shape_cast %swap3A_292 : vector<1x16xf32> to vector<16xf32>
        %swap3A_294 = vector.shape_cast %get3A_289 : vector<16xf32> to vector<1x16xf32>
        tpu.vector_store %arg9[%swap3A_290, %swap3A_291], %swap3A_294 {add = true, strides = array<i32>} : memref<400x64xf32, #tpu.memory_space<vmem>>, vector<1x16xf32>,
        %scan3A_295 = arith.constant 1 : i32
        %scan3A_296 = arith.addi %scan3A_260, %scan3A_295 : i32
        %get3A_297 = arith.index_cast %scan3A_296 : i32 to index
        %get3A_298 = arith.constant 0 : index
        %get3A_299 = tpu.vector_load %arg10[%get3A_297, %get3A_298] {strides = array<i32>} : memref<400x64xf32, #tpu.memory_space<vmem>>, vector<1x16xf32>,
        %get3A_300 = vector.shape_cast %get3A_299 : vector<1x16xf32> to vector<16xf32>
        %swap3A_301 = arith.index_cast %scan3A_296 : i32 to index
        %swap3A_302 = arith.constant 0 : index
        %swap3A_303 = tpu.vector_load %arg9[%swap3A_301, %swap3A_302] {strides = array<i32>} : memref<400x64xf32, #tpu.memory_space<vmem>>, vector<1x16xf32>,
        %swap3A_304 = vector.shape_cast %swap3A_303 : vector<1x16xf32> to vector<16xf32>
        %swap3A_305 = vector.shape_cast %get3A_300 : vector<16xf32> to vector<1x16xf32>
        tpu.vector_store %arg9[%swap3A_301, %swap3A_302], %swap3A_305 {add = true, strides = array<i32>} : memref<400x64xf32, #tpu.memory_space<vmem>>, vector<1x16xf32>,
        %get3A_306 = arith.index_cast %scan3A_296 : i32 to index
        %get3A_307 = arith.constant 16 : index
        %get3A_308 = tpu.vector_load %arg10[%get3A_306, %get3A_307] {strides = array<i32>} : memref<400x64xf32, #tpu.memory_space<vmem>>, vector<1x16xf32>,
        %get3A_309 = vector.shape_cast %get3A_308 : vector<1x16xf32> to vector<16xf32>
        %swap3A_310 = arith.index_cast %scan3A_296 : i32 to index
        %swap3A_311 = arith.constant 16 : index
        %swap3A_312 = tpu.vector_load %arg9[%swap3A_310, %swap3A_311] {strides = array<i32>} : memref<400x64xf32, #tpu.memory_space<vmem>>, vector<1x16xf32>,
        %swap3A_313 = vector.shape_cast %swap3A_312 : vector<1x16xf32> to vector<16xf32>
        %swap3A_314 = vector.shape_cast %get3A_309 : vector<16xf32> to vector<1x16xf32>
        tpu.vector_store %arg9[%swap3A_310, %swap3A_311], %swap3A_314 {add = true, strides = array<i32>} : memref<400x64xf32, #tpu.memory_space<vmem>>, vector<1x16xf32>,
        %get3A_315 = arith.index_cast %scan3A_296 : i32 to index
        %get3A_316 = arith.constant 32 : index
        %get3A_317 = tpu.vector_load %arg10[%get3A_315, %get3A_316] {strides = array<i32>} : memref<400x64xf32, #tpu.memory_space<vmem>>, vector<1x16xf32>,
        %get3A_318 = vector.shape_cast %get3A_317 : vector<1x16xf32> to vector<16xf32>
        %swap3A_319 = arith.index_cast %scan3A_296 : i32 to index
        %swap3A_320 = arith.constant 32 : index
        %swap3A_321 = tpu.vector_load %arg9[%swap3A_319, %swap3A_320] {strides = array<i32>} : memref<400x64xf32, #tpu.memory_space<vmem>>, vector<1x16xf32>,
        %swap3A_322 = vector.shape_cast %swap3A_321 : vector<1x16xf32> to vector<16xf32>
        %swap3A_323 = vector.shape_cast %get3A_318 : vector<16xf32> to vector<1x16xf32>
        tpu.vector_store %arg9[%swap3A_319, %swap3A_320], %swap3A_323 {add = true, strides = array<i32>} : memref<400x64xf32, #tpu.memory_space<vmem>>, vector<1x16xf32>,
        %get3A_324 = arith.index_cast %scan3A_296 : i32 to index
        %get3A_325 = arith.constant 48 : index
        %get3A_326 = tpu.vector_load %arg10[%get3A_324, %get3A_325] {strides = array<i32>} : memref<400x64xf32, #tpu.memory_space<vmem>>, vector<1x16xf32>,
        %get3A_327 = vector.shape_cast %get3A_326 : vector<1x16xf32> to vector<16xf32>
        %swap3A_328 = arith.index_cast %scan3A_296 : i32 to index
        %swap3A_329 = arith.constant 48 : index
        %swap3A_330 = tpu.vector_load %arg9[%swap3A_328, %swap3A_329] {strides = array<i32>} : memref<400x64xf32, #tpu.memory_space<vmem>>, vector<1x16xf32>,
        %swap3A_331 = vector.shape_cast %swap3A_330 : vector<1x16xf32> to vector<16xf32>
        %swap3A_332 = vector.shape_cast %get3A_327 : vector<16xf32> to vector<1x16xf32>
        tpu.vector_store %arg9[%swap3A_328, %swap3A_329], %swap3A_332 {add = true, strides = array<i32>} : memref<400x64xf32, #tpu.memory_space<vmem>>, vector<1x16xf32>,
        %scan3A_333 = arith.constant 2 : i32
        %scan3A_334 = arith.addi %scan3A_260, %scan3A_333 : i32
        %get3A_335 = arith.index_cast %scan3A_334 : i32 to index
        %get3A_336 = arith.constant 0 : index
        %get3A_337 = tpu.vector_load %arg10[%get3A_335, %get3A_336] {strides = array<i32>} : memref<400x64xf32, #tpu.memory_space<vmem>>, vector<1x16xf32>,
        %get3A_338 = vector.shape_cast %get3A_337 : vector<1x16xf32> to vector<16xf32>
        %swap3A_339 = arith.index_cast %scan3A_334 : i32 to index
        %swap3A_340 = arith.constant 0 : index
        %swap3A_341 = tpu.vector_load %arg9[%swap3A_339, %swap3A_340] {strides = array<i32>} : memref<400x64xf32, #tpu.memory_space<vmem>>, vector<1x16xf32>,
        %swap3A_342 = vector.shape_cast %swap3A_341 : vector<1x16xf32> to vector<16xf32>
        %swap3A_343 = vector.shape_cast %get3A_338 : vector<16xf32> to vector<1x16xf32>
        tpu.vector_store %arg9[%swap3A_339, %swap3A_340], %swap3A_343 {add = true, strides = array<i32>} : memref<400x64xf32, #tpu.memory_space<vmem>>, vector<1x16xf32>,
        %get3A_344 = arith.index_cast %scan3A_334 : i32 to index
        %get3A_345 = arith.constant 16 : index
        %get3A_346 = tpu.vector_load %arg10[%get3A_344, %get3A_345] {strides = array<i32>} : memref<400x64xf32, #tpu.memory_space<vmem>>, vector<1x16xf32>,
        %get3A_347 = vector.shape_cast %get3A_346 : vector<1x16xf32> to vector<16xf32>
        %swap3A_348 = arith.index_cast %scan3A_334 : i32 to index
        %swap3A_349 = arith.constant 16 : index
        %swap3A_350 = tpu.vector_load %arg9[%swap3A_348, %swap3A_349] {strides = array<i32>} : memref<400x64xf32, #tpu.memory_space<vmem>>, vector<1x16xf32>,
        %swap3A_351 = vector.shape_cast %swap3A_350 : vector<1x16xf32> to vector<16xf32>
        %swap3A_352 = vector.shape_cast %get3A_347 : vector<16xf32> to vector<1x16xf32>
        tpu.vector_store %arg9[%swap3A_348, %swap3A_349], %swap3A_352 {add = true, strides = array<i32>} : memref<400x64xf32, #tpu.memory_space<vmem>>, vector<1x16xf32>,
        %get3A_353 = arith.index_cast %scan3A_334 : i32 to index
        %get3A_354 = arith.constant 32 : index
        %get3A_355 = tpu.vector_load %arg10[%get3A_353, %get3A_354] {strides = array<i32>} : memref<400x64xf32, #tpu.memory_space<vmem>>, vector<1x16xf32>,
        %get3A_356 = vector.shape_cast %get3A_355 : vector<1x16xf32> to vector<16xf32>
        %swap3A_357 = arith.index_cast %scan3A_334 : i32 to index
        %swap3A_358 = arith.constant 32 : index
        %swap3A_359 = tpu.vector_load %arg9[%swap3A_357, %swap3A_358] {strides = array<i32>} : memref<400x64xf32, #tpu.memory_space<vmem>>, vector<1x16xf32>,
        %swap3A_360 = vector.shape_cast %swap3A_359 : vector<1x16xf32> to vector<16xf32>
        %swap3A_361 = vector.shape_cast %get3A_356 : vector<16xf32> to vector<1x16xf32>
        tpu.vector_store %arg9[%swap3A_357, %swap3A_358], %swap3A_361 {add = true, strides = array<i32>} : memref<400x64xf32, #tpu.memory_space<vmem>>, vector<1x16xf32>,
        %get3A_362 = arith.index_cast %scan3A_334 : i32 to index
        %get3A_363 = arith.constant 48 : index
        %get3A_364 = tpu.vector_load %arg10[%get3A_362, %get3A_363] {strides = array<i32>} : memref<400x64xf32, #tpu.memory_space<vmem>>, vector<1x16xf32>,
        %get3A_365 = vector.shape_cast %get3A_364 : vector<1x16xf32> to vector<16xf32>
        %swap3A_366 = arith.index_cast %scan3A_334 : i32 to index
        %swap3A_367 = arith.constant 48 : index
        %swap3A_368 = tpu.vector_load %arg9[%swap3A_366, %swap3A_367] {strides = array<i32>} : memref<400x64xf32, #tpu.memory_space<vmem>>, vector<1x16xf32>,
        %swap3A_369 = vector.shape_cast %swap3A_368 : vector<1x16xf32> to vector<16xf32>
        %swap3A_370 = vector.shape_cast %get3A_365 : vector<16xf32> to vector<1x16xf32>
        tpu.vector_store %arg9[%swap3A_366, %swap3A_367], %swap3A_370 {add = true, strides = array<i32>} : memref<400x64xf32, #tpu.memory_space<vmem>>, vector<1x16xf32>,
        %scan3A_371 = arith.constant 3 : i32
        %scan3A_372 = arith.addi %scan3A_260, %scan3A_371 : i32
        %get3A_373 = arith.index_cast %scan3A_372 : i32 to index
        %get3A_374 = arith.constant 0 : index
        %get3A_375 = tpu.vector_load %arg10[%get3A_373, %get3A_374] {strides = array<i32>} : memref<400x64xf32, #tpu.memory_space<vmem>>, vector<1x16xf32>,
        %get3A_376 = vector.shape_cast %get3A_375 : vector<1x16xf32> to vector<16xf32>
        %swap3A_377 = arith.index_cast %scan3A_372 : i32 to index
        %swap3A_378 = arith.constant 0 : index
        %swap3A_379 = tpu.vector_load %arg9[%swap3A_377, %swap3A_378] {strides = array<i32>} : memref<400x64xf32, #tpu.memory_space<vmem>>, vector<1x16xf32>,
        %swap3A_380 = vector.shape_cast %swap3A_379 : vector<1x16xf32> to vector<16xf32>
        %swap3A_381 = vector.shape_cast %get3A_376 : vector<16xf32> to vector<1x16xf32>
        tpu.vector_store %arg9[%swap3A_377, %swap3A_378], %swap3A_381 {add = true, strides = array<i32>} : memref<400x64xf32, #tpu.memory_space<vmem>>, vector<1x16xf32>,
        %get3A_382 = arith.index_cast %scan3A_372 : i32 to index
        %get3A_383 = arith.constant 16 : index
        %get3A_384 = tpu.vector_load %arg10[%get3A_382, %get3A_383] {strides = array<i32>} : memref<400x64xf32, #tpu.memory_space<vmem>>, vector<1x16xf32>,
        %get3A_385 = vector.shape_cast %get3A_384 : vector<1x16xf32> to vector<16xf32>
        %swap3A_386 = arith.index_cast %scan3A_372 : i32 to index
        %swap3A_387 = arith.constant 16 : index
        %swap3A_388 = tpu.vector_load %arg9[%swap3A_386, %swap3A_387] {strides = array<i32>} : memref<400x64xf32, #tpu.memory_space<vmem>>, vector<1x16xf32>,
        %swap3A_389 = vector.shape_cast %swap3A_388 : vector<1x16xf32> to vector<16xf32>
        %swap3A_390 = vector.shape_cast %get3A_385 : vector<16xf32> to vector<1x16xf32>
        tpu.vector_store %arg9[%swap3A_386, %swap3A_387], %swap3A_390 {add = true, strides = array<i32>} : memref<400x64xf32, #tpu.memory_space<vmem>>, vector<1x16xf32>,
        %get3A_391 = arith.index_cast %scan3A_372 : i32 to index
        %get3A_392 = arith.constant 32 : index
        %get3A_393 = tpu.vector_load %arg10[%get3A_391, %get3A_392] {strides = array<i32>} : memref<400x64xf32, #tpu.memory_space<vmem>>, vector<1x16xf32>,
        %get3A_394 = vector.shape_cast %get3A_393 : vector<1x16xf32> to vector<16xf32>
        %swap3A_395 = arith.index_cast %scan3A_372 : i32 to index
        %swap3A_396 = arith.constant 32 : index
        %swap3A_397 = tpu.vector_load %arg9[%swap3A_395, %swap3A_396] {strides = array<i32>} : memref<400x64xf32, #tpu.memory_space<vmem>>, vector<1x16xf32>,
        %swap3A_398 = vector.shape_cast %swap3A_397 : vector<1x16xf32> to vector<16xf32>
        %swap3A_399 = vector.shape_cast %get3A_394 : vector<16xf32> to vector<1x16xf32>
        tpu.vector_store %arg9[%swap3A_395, %swap3A_396], %swap3A_399 {add = true, strides = array<i32>} : memref<400x64xf32, #tpu.memory_space<vmem>>, vector<1x16xf32>,
        %get3A_400 = arith.index_cast %scan3A_372 : i32 to index
        %get3A_401 = arith.constant 48 : index
        %get3A_402 = tpu.vector_load %arg10[%get3A_400, %get3A_401] {strides = array<i32>} : memref<400x64xf32, #tpu.memory_space<vmem>>, vector<1x16xf32>,
        %get3A_403 = vector.shape_cast %get3A_402 : vector<1x16xf32> to vector<16xf32>
        %swap3A_404 = arith.index_cast %scan3A_372 : i32 to index
        %swap3A_405 = arith.constant 48 : index
        %swap3A_406 = tpu.vector_load %arg9[%swap3A_404, %swap3A_405] {strides = array<i32>} : memref<400x64xf32, #tpu.memory_space<vmem>>, vector<1x16xf32>,
        %swap3A_407 = vector.shape_cast %swap3A_406 : vector<1x16xf32> to vector<16xf32>
        %swap3A_408 = vector.shape_cast %get3A_403 : vector<16xf32> to vector<1x16xf32>
        tpu.vector_store %arg9[%swap3A_404, %swap3A_405], %swap3A_408 {add = true, strides = array<i32>} : memref<400x64xf32, #tpu.memory_space<vmem>>, vector<1x16xf32>,
      }
      %scan3A_252 = arith.constant 400 : i32
      %mul3A_253 = arith.constant 400 : i32
      %mul3A_254 = arith.muli %add3A_70, %mul3A_253 : i32
      %add3A_255 = arith.addi %mul3A_2, %mul3A_254 : i32
      %dma_start3A_256 = arith.constant 0 : i32
      %dma_start3A_257 = tpu.memref_slice %arg5[%add3A_255, %dma_start3A_256] : memref<819200x64xf32, #tpu.memory_space<hbm>> -> memref<400x64xf32, #tpu.memory_space<hbm>>
      %dma_start3A_258 = arith.constant 0 : i32
      %dma_start3A_259 = tpu.memref_slice %arg5[%add3A_255, %dma_start3A_258] : memref<819200x64xf32, #tpu.memory_space<hbm>> -> memref<400x64xf32, #tpu.memory_space<hbm>>
      tpu.enqueue_dma source(%arg9 : memref<400x64xf32, #tpu.memory_space<vmem>>) target(%dma_start3A_259 : memref<400x64xf32, #tpu.memory_space<hbm>>) target_semaphore(%arg14 : memref<!tpu.dma_semaphore, #tpu.memory_space<semaphore_mem>>)
    }
    %scan3A_60 = arith.constant 32 : i32
    %dma_wait3A = arith.constant 0 : i32
    %dma_wait3A_61 = tpu.memref_slice %arg5[%mul3A_2, %dma_wait3A] : memref<819200x64xf32, #tpu.memory_space<hbm>> -> memref<400x64xf32, #tpu.memory_space<hbm>>
    %dma_wait3A_62 = arith.constant 0 : i32
    %dma_wait3A_63 = tpu.memref_slice %arg5[%mul3A_2, %dma_wait3A_62] : memref<819200x64xf32, #tpu.memory_space<hbm>> -> memref<400x64xf32, #tpu.memory_space<hbm>>
    tpu.wait_dma2 semaphore(%arg14 : memref<!tpu.dma_semaphore, #tpu.memory_space<semaphore_mem>>) src(%arg9 : memref<400x64xf32, #tpu.memory_space<vmem>>) dst(%dma_wait3A_63 : memref<400x64xf32, #tpu.memory_space<hbm>>)
    return
  }
}

</mosaic_0001>

<sc_bundles>
// kernel: kernel.3.cloned.1.call-start
scs
__scs_entry_jumppad:
0x0: {  	(pc) =	sbr.rel $0x88, $3  }
0x1: {  	(tag) =	ssettag $0x0;
	lr =	simm.s32 $0x1  }
0x2: {  	[smem:$0x3F9E] =	sst lr;
	_ =	strace $0xD0000000  }
0x3: {  	_ = 	snop  }
0x4: {  	_ = 	snop  }
0x5: {  	_ = 	snop  }
0x6: {  	_ = 	snop  }
0x7: {  	_ = 	snop  }
__scs_overlays_trampoline_lowered:
0x8: {  	[smem:$0x3FAD] =	sst s0  }
0x9: {  	[smem:$0x3FAE] =	sst s1  }
0xa: {  	[smem:$0x3FAF] =	sst s2  }
0xb: {  	[smem:$0x3FB0] =	sst s3  }
0xc: {  	[smem:$0x3FB1] =	sst s4  }
0xd: {  	[smem:$0x3FB2] =	sst s5  }
0xe: {  	[smem:$0x3FB3] =	sst s6  }
0xf: {  	[smem:$0x3FB4] =	sst s7  }
0x10: {  	[smem:$0x3FB5] =	sst s8  }
0x11: {  	[smem:$0x3FB6] =	sst s9;
	s0 =	simm.s32 @!p0 $0x0  }
0x12: {  	s1 =	sld [smem:$0x3F9C];
	s0 =	simm.s32 @p0 $0x1  }
0x13: {  	[smem:$0x3FB7] =	sst s0;
	s0 =	simm.s32 @!p1 $0x0  }
0x14: {  	s2 =	sld [smem:$0x3F9B];
	s0 =	simm.s32 @p1 $0x1  }
0x15: {  	[smem:$0x3FB8] =	sst s0;
	s0 =	simm.s32 @!p2 $0x0  }
0x16: {  	s3 =	sld [smem:$0x3FDB];
	s0 =	simm.s32 @p2 $0x1  }
0x17: {  	s4 =	simm.s32 $0x1BF5;
	[smem:$0x3FBA] =	sst s0  }
0x18: {  	s0 =	sld [smem:$0x3F9D];
	_ =	swait.ge [sflag:s4], $0x0  }
0x19: {  	s7 =	sld [smem:$0x3F9E]  }
0x1a: {  	s8 =	sadd.s32 $0xFFFFE003, lr  }
0x1b: {  	s9 =	sadd.s32 $0xFFFFFEF7, lr;
	s5 =	simm.s32 $0xFFFFFFFF;
	p2 =	slt.u32 s8, $0xFFFFF086  }
0x1c: {  	p1 =	slt.u32 s9, $0xF7A;
	s5 =	simm.s32 @!p2 $0x0  }
0x1d: {  	s5 =	simm.s32 @p1 $0x1;
	p0 =	seq.s32 s7, s2  }
0x1e: {  	s7 =	smul.u32 @!p0 $0xF7A, s2;
	p2 =	seq.s32 @!p0 s5, $0x0  }
0x1f: {  	s9 =	smul.u32 $0xF7A, s1;
	s8 =	simm.s32 @!p0 $0x1BF5;
	p2 =	por !p2, p0  }
0x20: {  	[sflag:s8] =	ssyncset.s32 @!p0 $0xFFFFF086;
	s6 =	sadd.s32 @!p0 s3, s7;
	s7 =	simm.s32 @!p0 $0x108  }
0x21: {  	s3 =	sadd.s32 s3, s9;
	s6 =	sadd.s32 @!p0 $0x88, s6;
	s7 =	simm.s32 @p2 $0x1082  }
0x22: {  	[simem:s7], [sflag:s8] =	dma.local @!p0 [hbm:s6], $0xF7A  }
0x23: {  	s9 =	sor.u32 $0xD0000000, s2;
	s6 =	simm.s32 $0x108;
	_ =	swait.ge @!p0 [sflag:s8], $0x0  }
0x24: {  	s3 =	sadd.s32 $0x88, s3;
	s6 =	simm.s32 @!p1 $0x1082;
	[sflag:s4] =	ssyncset.s32 $0xFFFFF086  }
0x25: {  	[simem:s6], [sflag:s4] =	dma.local [hbm:s3], $0xF7A  }
0x26: {  	[smem:$0x3F9E] =	sst s1;
	(tag) =	ssettag s2;
	_ =	strace s9  }
0x27: {  	s1 =	sld [smem:$0x3FAE]  }
0x28: {  	s2 =	sld [smem:$0x3FAF]  }
0x29: {  	s4 =	sld [smem:$0x3FB1]  }
0x2a: {  	p0 =	seq.s32 s5, $0x0;
	s5 =	sld [smem:$0x3FB2]  }
0x2b: {  	s6 =	sld [smem:$0x3FB3]  }
0x2c: {  	s7 =	sld [smem:$0x3FB4]  }
0x2d: {  	s3 =	simm.s32 $0x108;
	s8 =	sld [smem:$0x3FB5]  }
0x2e: {  	s3 =	simm.s32 @!p0 $0x1082;
	s9 =	sld [smem:$0x3FB6]  }
0x2f: {  	lr =	sadd.s32 s0, s3;
	s0 =	sld [smem:$0x3FAD]  }
0x30: {  	s3 =	sld [smem:$0x3FB0]  }
0x31: {  	[smem:$0x3FB9] =	sst s10  }
0x32: {  	s10 =	sld [smem:$0x3FB7];
	_ =	sdelay $0x3  }
0x33: {  	p0 =	seq.s32 s10, $0x1;
	s10 =	sld [smem:$0x3FB9];
	_ =	sdelay $0x3  }
0x34: {  	[smem:$0x3FB9] =	sst s10  }
0x35: {  	s10 =	sld [smem:$0x3FB8];
	_ =	sdelay $0x3  }
0x36: {  	p1 =	seq.s32 s10, $0x1;
	s10 =	sld [smem:$0x3FB9];
	_ =	sdelay $0x3  }
0x37: {  	[smem:$0x3FB9] =	sst s10  }
0x38: {  	s10 =	sld [smem:$0x3FBA]  }
0x39: {  	_ = 	snop;
	(pc) =	sbr.ind lr, $3  }
0x3a: {  	_ = 	snop  }
0x3b: {  	_ = 	snop  }
0x3c: {  	p2 =	seq.s32 s10, $0x1;
	s10 =	sld [smem:$0x3FB9]  }
0x3d: {  	_ =	shalt  }
0x3e: {  	_ =	shalt  }
0x3f: {  	_ =	shalt  }
0x40: {  	_ =	shalt  }
0x41: {  	_ =	shalt  }
0x42: {  	_ =	shalt  }
0x43: {  	_ =	shalt  }
0x44: {  	_ =	shalt  }
0x45: {  	_ =	shalt  }
0x46: {  	_ =	shalt  }
0x47: {  	_ =	shalt  }
0x48: {  	_ =	shalt  }
0x49: {  	_ =	shalt  }
0x4a: {  	_ =	shalt  }
0x4b: {  	_ =	shalt  }
0x4c: {  	_ =	shalt  }
0x4d: {  	_ =	shalt  }
0x4e: {  	_ =	shalt  }
0x4f: {  	_ =	shalt  }
0x50: {  	_ =	shalt  }
0x51: {  	_ =	shalt  }
0x52: {  	_ =	shalt  }
0x53: {  	_ =	shalt  }
0x54: {  	_ =	shalt  }
0x55: {  	_ =	shalt  }
0x56: {  	_ =	shalt  }
0x57: {  	_ =	shalt  }
0x58: {  	_ =	shalt  }
0x59: {  	_ =	shalt  }
0x5a: {  	_ =	shalt  }
0x5b: {  	_ =	shalt  }
0x5c: {  	_ =	shalt  }
0x5d: {  	_ =	shalt  }
0x5e: {  	_ =	shalt  }
0x5f: {  	_ =	shalt  }
0x60: {  	_ =	shalt  }
0x61: {  	_ =	shalt  }
0x62: {  	_ =	shalt  }
0x63: {  	_ =	shalt  }
0x64: {  	_ =	shalt  }
0x65: {  	_ =	shalt  }
0x66: {  	_ =	shalt  }
0x67: {  	_ =	shalt  }
0x68: {  	_ =	shalt  }
0x69: {  	_ =	shalt  }
0x6a: {  	_ =	shalt  }
0x6b: {  	_ =	shalt  }
0x6c: {  	_ =	shalt  }
0x6d: {  	_ =	shalt  }
0x6e: {  	_ =	shalt  }
0x6f: {  	_ =	shalt  }
0x70: {  	_ =	shalt  }
0x71: {  	_ =	shalt  }
0x72: {  	_ =	shalt  }
0x73: {  	_ =	shalt  }
0x74: {  	_ =	shalt  }
0x75: {  	_ =	shalt  }
0x76: {  	_ =	shalt  }
0x77: {  	_ =	shalt  }
0x78: {  	_ =	shalt  }
0x79: {  	_ =	shalt  }
0x7a: {  	_ =	shalt  }
0x7b: {  	_ =	shalt  }
0x7c: {  	_ =	shalt  }
0x7d: {  	_ =	shalt  }
0x7e: {  	_ =	shalt  }
0x7f: {  	_ =	shalt  }
0x80: {  	_ =	shalt  }
0x81: {  	_ =	shalt  }
0x82: {  	_ =	shalt  }
0x83: {  	_ =	shalt  }
0x84: {  	_ =	shalt  }
0x85: {  	_ =	shalt  }
0x86: {  	_ =	shalt  }
0x87: {  	_ =	shalt  }
.Lfunc_end0:
.L_simem_size_0:
called_computation.1_lowered:
.L_overlay_start_0:
0x88: {  	s2 =	sld [smem:$0x3FD9]  }
0x89: {  	s3 =	sld [smem:$0x3FFE];
	_ =	sdelay $0x1  }
0x8a: {  	s1 =	srdreg.scid  }
0x8b: {  	s0 =	sand.u32 $0x1, s1  }
0x8c: {  	s17 =	sshll.u32 s0, $0xA;
	s2 =	sadd.s32 s3, s2  }
0x8d: {  	s2 =	sadd.s32 s2, s17  }
0x8e: {  	[smem:$0x3FC5] =	sst s2  }
0x8f: {  	_ = 	snop  }
0x90: {  	s2 =	sld [smem:$0x3FD0];
	(tm) =	ssettm $0x1  }
0x91: {  	s18 =	sld [smem:$0x3FFB];
	_ =	sdelay $0x3  }
0x92: {  	_ =	strace s18  }
0x93: {  	s3 =	sld [smem:$0x3FFC];
	_ =	sdelay $0x3  }
0x94: {  	_ =	strace s3  }
0x95: {  	s3 =	sld [smem:$0x3FFD];
	_ =	sdelay $0x3  }
0x96: {  	_ =	strace s3  }
0x97: {  	_ =	strace $0x8FFFFFFF  }
0x98: {  	s19 =	sld [smem:$0x3FDB];
	_ =	sdelay $0x1  }
0x99: {  	s4 =	simm.s32 $_scs_section_size  }
0x9a: {  	s5 =	simm.s32 $_size__tile_overlayer_lowered;
	s6 =	simm.s32 $_tile_overlayer_lowered  }
0x9b: {  	s22 =	simm.s32 $0x1BFF;
	s21 =	sshll.u32 s6, $0x1;
	s3 =	sadd.s32 s4, s19  }
0x9c: {  	s7 =	simm.s32 $0x0;
	s20 =	sshll.u32 s5, $0x1;
	s5 =	sadd.s32 s21, s3  }
0x9d: {  	[timem:s7], [sflag:s22] =	dma.local [hbm:s5], s20  }
0x9e: {  	_ =	swait.ge [sflag:s22], s20  }
0x9f: {  	s4 =	ssub.s32 $0x0, s20;
	[sflag:s22] =	ssyncset.done $0x0  }
0xa0: {  	[sflag:s22] =	ssyncadd.s32 s4;
	_ =	sdelay $0x1  }
0xa1: {  	s23 =	simm.s32 $0x1B8B  }
0xa2: {  	_ =	swait.ge [sflag:s23], $0x1  }
0xa3: {  	[sflag:s23] =	ssyncset.done $0x0  }
0xa4: {  	s25 =	simm.s32 $0x1B8E;
	s24 =	sld [smem:$0x3FFE];
	[sflag:s23] =	ssyncadd.s32 $0xFFFFFFFF  }
0xa5: {  	s26 =	simm.s32 $execute0_lowered;
	[smem:$0x3FD2] =	sst s25  }
0xa6: {  	s5 =	sshll.u32 s26, $0x1;
	_ =	strace $0x80000046;
	[dreg:$0x1] =	wrdreg $0xFFFFFFFF  }
0xa7: {  	s28 =	simm.s32 $_size_execute0_lowered;
	s3 =	sadd.s32 s3, s5;
	[dreg:$0x0] =	wrdreg $0x0  }
0xa8: {  	s5 =	sshll.u32 s28, $0x1;
	[dreg:$0x2] =	wrdreg s3  }
0xa9: {  	[dreg:$0x3] =	wrdreg s5  }
0xaa: {  	[dreg:$0x4] =	wrdreg $0xC0  }
0xab: {  	_ =	task [dreg:s7], $0x5FFFF  }
0xac: {  	[dreg:$0x1] =	wrdreg $0xFFFFFFFF  }
0xad: {  	[dreg:$0x0] =	wrdreg $0x60  }
0xae: {  	[dreg:$0x2] =	wrdreg s24  }
0xaf: {  	[dreg:$0x3] =	wrdreg s2  }
0xb0: {  	[dreg:$0x4] =	wrdreg $0x9  }
0xb1: {  	_ =	task.clear_ibuf [dreg:s7], $0x5FFFF;
	_ =	strace $0x90000046  }
0xb2: {  	s29 =	simm.s32 $0x9;
	_ =	strace $0x80000048  }
0xb3: {  	_ =	swait.ge [sflag:s29], $0x1  }
0xb4: {  	[sflag:s29] =	ssyncadd.s32 $0xFFFFFFFF  }
0xb5: {  	_ =	strace $0x90000048  }
0xb6: {  	_ =	sfence  }
0xb7: {  	s30 =	sld [smem:$0x0];
	_ =	sdelay $0x2  }
0xb8: {  	s31 =	sshll.u32 s1, $0xD;
	s1 =	sshrl.u32 s1, $0x2  }
0xb9: {  	s3 =	sand.u32 $0x4000, s31;
	s1 =	sadd.s32 s1, s30  }
0xba: {  	s0 =	sor.u32 s3, s0;
	s1 =	sshll.u32 s1, $0x11  }
0xbb: {  	s0 =	sor.u32 s1, s0  }
0xbc: {  	s0 =	sadd.s32 $0x8F2B, s0  }
0xbd: {  	[sflag:s0] =	ssyncadd.remote.s32 $0x1  }
0xbe: {  	_ =	sfence.sel $0xFFFF  }
0xbf: {  	[dreg:$0x0] =	wrdreg $0xFFFFFFFF;
	(pc) =	sbr.abs _section_cstart, $3  }
0xc0: {  	[dreg:$0x1] =	wrdreg $0xFFFFFFFF  }
0xc1: {  	_ =	task.clear_ibuf [dreg:s7], $0x2FFFF;
	_ =	strace $0x9FFFFFFF  }
0xc2: {  	(tm) =	ssettm $0x7FFFFFFF  }
0xc3: {  	_ =	shalt  }
tec
execute0_lowered:
.L_overlay_start_1:
0x0: {  	(tag) =	ssettag $0x1  }
0x1: {  	s0 =	rddreg [dreg:$0x0]  }
0x2: {  	s1 =	rddreg [dreg:$0x1];
	s3 =	simm.s32 $0x0;
	s2 =	srdreg.scid  }
0x3: {  	s4 =	stileid.u32;
	s13 =	simm.s32 $0x5;
	s14 =	simm.s32 $0x50  }
0x4: {  	s15 =	simm.s32 $0x320;
	s28 =	simm.s32 $0x7B20;
	s29 =	simm.s32 $0x230  }
0x5: {  	s30 =	simm.s32 $0x8F20;
	s31 =	simm.s32 $0x280;
	s12 =	simm.s32 $0xB720  }
0x6: {  	s16 =	simm.s32 $0x2;
	s17 =	simm.s32 $0x3;
	s18 =	simm.s32 $0x4  }
0x7: {  	s19 =	simm.s32 $0x0;
	[smem:$0x7FF] =	sst s3;
	s2 =	sand.u32 $0x1, s2  }
0x8: {  	s5 =	sshll.u32 s4, $0x1;
	s4 =	sadd.s32 $0xC00, s0;
	s23 =	sadd.s32 $0x19C00, s0  }
0x9: {  	s6 =	sadd.s32 $0xF43000, s0;
	s7 =	ssub.s32 $0x2, s2;
	s2 =	sor.u32 s2, s5  }
0xa: {  	_ =	strace $0x80000047;
	[dreg:$0x3] =	wrdreg s23;
	s9 =	smul.u32 $0xC80, s2  }
0xb: {  	s23 =	simm.s32 $0x1;
	s24 =	sshrl.u32 s7, $0x1;
	s8 =	smul.u32 $0x6400, s2  }
0xc: {  	s25 =	ssub.s32 s7, s24;
	s7 =	sshll.u32 s2, $0x6;
	s24 =	simm.s32 $0x190  }
0xd: {  	s2 =	simm.s32 $0x2D0;
	s26 =	sadd.s32 s4, s9;
	s10 =	sor.u32 $0x2, s7  }
0xe: {  	s0 =	smax.u32 s25, $0x1;
	s25 =	simm.s32 $0x6720;
	[dreg:$0x4] =	wrdreg s26  }
0xf: {  	[dreg:$0x5] =	wrdreg s0;
	s26 =	simm.s32 $0x1E0;
	s0 =	simm.s32 $0xA320  }
.LBB2_1:
0x10: {  	s5 =	rddreg [dreg:$0x3];
	s9 =	simm.s32 $0xCB20  }
0x11: {  	[tilespmem:s9], [sflag:$0x5] =	stream.linear.gather [hbm4b:s5+s3], $0x6400, $0x38;
	[tilespmem:$0x12F20] =	vst v63  }
0x12: {  	_ =	swait.ge [sflag:s13], $0x6400  }
0x13: {  	[sflag:s13] =	ssyncset.done $0x0  }
0x14: {  	s11 =	rddreg [dreg:$0x4];
	[sflag:s13] =	ssyncadd.s32 $0xFFFF9C00  }
0x15: {  	[tilespmem:s3], [sflag:$0x5] =	stream.linear.gather [hbm4b:s11+s3], $0x190, $0x38;
	[tilespmem:$0x12F20] =	vst v63  }
0x16: {  	_ =	swait.ge [sflag:s13], $0x190  }
0x17: {  	[sflag:s13] =	ssyncset.done $0x0  }
0x18: {  	[sflag:s13] =	ssyncadd.s32 $0xFFFFFE70  }
0x19: {  	[tilespmem:s15], [sflag:$0x1] =	stream.indirect.gather [hbm4b:s6+s14], $0x40, s3, s14, $0xb8;
	[tilespmem:$0x12F20] =	vst v63  }
0x1a: {  	s20 =	simm.s32 $0x1720  }
0x1b: {  	[tilespmem:s20], [sflag:$0x1] =	stream.indirect.gather [hbm4b:s6+s14], $0x40, s14, s14, $0xb8;
	[tilespmem:$0x12F20] =	vst v63  }
0x1c: {  	s21 =	simm.s32 $0xA0;
	s22 =	simm.s32 $0x2B20  }
0x1d: {  	[tilespmem:s22], [sflag:$0x1] =	stream.indirect.gather [hbm4b:s6+s14], $0x40, s21, s14, $0xb8;
	[tilespmem:$0x12F20] =	vst v63  }
0x1e: {  	s11 =	simm.s32 $0xF0;
	s20 =	simm.s32 $0x3F20  }
0x1f: {  	[tilespmem:s20], [sflag:$0x1] =	stream.indirect.gather [hbm4b:s6+s14], $0x40, s11, s14, $0xb8;
	[tilespmem:$0x12F20] =	vst v63  }
0x20: {  	s21 =	simm.s32 $0x140;
	s22 =	simm.s32 $0x5320;
	s20 =	simm.s32 $0x0  }
0x21: {  	[tilespmem:s22], [sflag:$0x1] =	stream.indirect.gather [hbm4b:s6+s14], $0x40, s21, s14, $0xb8;
	[tilespmem:$0x12F20] =	vst v63  }
.LBB2_2:
0x22: {  	_ =	swait.ge [sflag:s23], $0x1400  }
0x23: {  	[sflag:s23] =	ssyncset.done $0x0  }
0x24: {  	[sflag:s23] =	ssyncadd.s32 $0xFFFFEC00  }
0x25: {  	_ =	swait.ge [sflag:s23], $0x1400  }
0x26: {  	[sflag:s23] =	ssyncset.done $0x0  }
0x27: {  	[sflag:s23] =	ssyncadd.s32 $0xFFFFEC00  }
0x28: {  	_ =	swait.ge [sflag:s23], $0x1400  }
0x29: {  	[sflag:s23] =	ssyncset.done $0x0  }
0x2a: {  	[sflag:s23] =	ssyncadd.s32 $0xFFFFEC00  }
0x2b: {  	_ =	swait.ge [sflag:s23], $0x1400  }
0x2c: {  	[sflag:s23] =	ssyncset.done $0x0  }
0x2d: {  	[sflag:s23] =	ssyncadd.s32 $0xFFFFEC00  }
0x2e: {  	_ =	swait.ge [sflag:s23], $0x1400  }
0x2f: {  	s21 =	sshllo.u32 s20, $0x1;
	p0 =	seq.s32 s20, $0x0;
	[sflag:s23] =	ssyncset.done $0x0  }
0x30: {  	s5 =	simm.s32 @!p0 $0x4;
	s9 =	sadd.s32 s7, s21;
	[sflag:s23] =	ssyncadd.s32 $0xFFFFEC00  }
0x31: {  	s9 =	smul.u32 $0x32, s9;
	_ =	swait.ge @!p0 [sflag:s5], $0x6400  }
0x32: {  	[sflag:s5] =	ssyncset.done @!p0 $0x0  }
0x33: {  	s22 =	simm.s32 $0x0;
	s11 =	sadd.s32 s4, s9;
	[sflag:s5] =	ssyncadd.s32 @!p0 $0xFFFF9C00  }
0x34: {  	[tilespmem:s24], [sflag:$0x5] =	stream.linear.gather [hbm4b:s11+s22], $0x190, $0x38;
	[tilespmem:$0x12F20] =	vst v63  }
0x35: {  	_ =	swait.ge [sflag:s13], $0x190  }
0x36: {  	[sflag:s13] =	ssyncset.done $0x0  }
0x37: {  	[sflag:s13] =	ssyncadd.s32 $0xFFFFFE70  }
0x38: {  	[tilespmem:s25], [sflag:$0x2] =	stream.indirect.gather [hbm4b:s6+s14], $0x40, s24, s14, $0xb8;
	[tilespmem:$0x12F20] =	vst v63  }
0x39: {  	_ = 	snop  }
0x3a: {  	[tilespmem:s28], [sflag:$0x2] =	stream.indirect.gather [hbm4b:s6+s14], $0x40, s26, s14, $0xb8;
	[tilespmem:$0x12F20] =	vst v63  }
0x3b: {  	_ = 	snop  }
0x3c: {  	[tilespmem:s30], [sflag:$0x2] =	stream.indirect.gather [hbm4b:s6+s14], $0x40, s29, s14, $0xb8;
	[tilespmem:$0x12F20] =	vst v63  }
0x3d: {  	_ = 	snop  }
0x3e: {  	[tilespmem:s0], [sflag:$0x2] =	stream.indirect.gather [hbm4b:s6+s14], $0x40, s31, s14, $0xb8;
	[tilespmem:$0x12F20] =	vst v63  }
0x3f: {  	s22 =	simm.s32 $0x0  }
0x40: {  	[tilespmem:s12], [sflag:$0x2] =	stream.indirect.gather [hbm4b:s6+s14], $0x40, s2, s14, $0xb8;
	[tilespmem:$0x12F20] =	vst v63  }
0x41: {  	v0 =	vld [tilespmem:s22+$0xCC10]  }
0x42: {  	v1 =	vld [tilespmem:s22+$0xCB20]  }
0x43: {  	v2 =	vld [tilespmem:s22+$0xCB30]  }
0x44: {  	v3 =	vld [tilespmem:s22+$0xCB40]  }
0x45: {  	v4 =	vld [tilespmem:s22+$0xCB50]  }
0x46: {  	v5 =	vld [tilespmem:s22+$0xCB60]  }
0x47: {  	v6 =	vld [tilespmem:s22+$0xCB70]  }
0x48: {  	v7 =	vld [tilespmem:s22+$0xCB80]  }
0x49: {  	v8 =	vld [tilespmem:s22+$0xCB90]  }
0x4a: {  	v9 =	vld [tilespmem:s22+$0xCBA0]  }
0x4b: {  	v10 =	vld [tilespmem:s22+$0xCBB0]  }
0x4c: {  	v11 =	vld [tilespmem:s22+$0xCBC0]  }
0x4d: {  	v12 =	vld [tilespmem:s22+$0xCBD0]  }
0x4e: {  	v13 =	vld [tilespmem:s22+$0xCBE0]  }
0x4f: {  	v14 =	vld [tilespmem:s22+$0xCBF0]  }
0x50: {  	[tilespmem:s22+$0x410] =	vst.add.f32.msk $0xffff, v0  }
0x51: {  	v0 =	vld [tilespmem:s22+$0xCC00]  }
0x52: {  	[tilespmem:s22+$0x320] =	vst.add.f32.msk $0xffff, v1  }
0x53: {  	[tilespmem:s22+$0x330] =	vst.add.f32.msk $0xffff, v2  }
0x54: {  	[tilespmem:s22+$0x340] =	vst.add.f32.msk $0xffff, v3  }
0x55: {  	[tilespmem:s22+$0x350] =	vst.add.f32.msk $0xffff, v4  }
0x56: {  	[tilespmem:s22+$0x360] =	vst.add.f32.msk $0xffff, v5  }
0x57: {  	[tilespmem:s22+$0x370] =	vst.add.f32.msk $0xffff, v6  }
0x58: {  	[tilespmem:s22+$0x380] =	vst.add.f32.msk $0xffff, v7  }
0x59: {  	[tilespmem:s22+$0x390] =	vst.add.f32.msk $0xffff, v8  }
0x5a: {  	[tilespmem:s22+$0x3A0] =	vst.add.f32.msk $0xffff, v9  }
0x5b: {  	[tilespmem:s22+$0x3B0] =	vst.add.f32.msk $0xffff, v10  }
0x5c: {  	[tilespmem:s22+$0x3C0] =	vst.add.f32.msk $0xffff, v11  }
0x5d: {  	[tilespmem:s22+$0x3D0] =	vst.add.f32.msk $0xffff, v12  }
0x5e: {  	[tilespmem:s22+$0x3E0] =	vst.add.f32.msk $0xffff, v13  }
0x5f: {  	s9 =	simm.s32 $0x0;
	s5 =	sshll.u32 s20, $0x1;
	s11 =	simm.s32 $0x400;
	[tilespmem:s22+$0x3F0] =	vst.add.f32.msk $0xffff, v14  }
.LBB2_3:
0x60: {  	s9 =	sadd.s32 $0x4, s9;
	[tilespmem:s22+$0x400] =	vst.add.f32.msk $0xffff, v0;
	s22 =	sshra.s32 s11, $0x2  }
0x61: {  	v0 =	vld [tilespmem:s22+$0xCC10];
	p0 =	slt.u32 s9, $0x18C  }
0x62: {  	v1 =	vld [tilespmem:s22+$0xCB20]  }
0x63: {  	v2 =	vld [tilespmem:s22+$0xCB30]  }
0x64: {  	v3 =	vld [tilespmem:s22+$0xCB40]  }
0x65: {  	v4 =	vld [tilespmem:s22+$0xCB50]  }
0x66: {  	[tilespmem:s22+$0x410] =	vst.add.f32.msk $0xffff, v0  }
0x67: {  	v5 =	vld [tilespmem:s22+$0xCB60]  }
0x68: {  	v6 =	vld [tilespmem:s22+$0xCB70]  }
0x69: {  	v7 =	vld [tilespmem:s22+$0xCB80]  }
0x6a: {  	v8 =	vld [tilespmem:s22+$0xCB90]  }
0x6b: {  	v9 =	vld [tilespmem:s22+$0xCBA0]  }
0x6c: {  	v10 =	vld [tilespmem:s22+$0xCBB0]  }
0x6d: {  	v11 =	vld [tilespmem:s22+$0xCBC0]  }
0x6e: {  	v12 =	vld [tilespmem:s22+$0xCBD0]  }
0x6f: {  	v13 =	vld [tilespmem:s22+$0xCBE0]  }
0x70: {  	v14 =	vld [tilespmem:s22+$0xCBF0]  }
0x71: {  	v0 =	vld [tilespmem:s22+$0xCC00]  }
0x72: {  	[tilespmem:s22+$0x320] =	vst.add.f32.msk $0xffff, v1  }
0x73: {  	[tilespmem:s22+$0x330] =	vst.add.f32.msk $0xffff, v2  }
0x74: {  	[tilespmem:s22+$0x340] =	vst.add.f32.msk $0xffff, v3  }
0x75: {  	[tilespmem:s22+$0x350] =	vst.add.f32.msk $0xffff, v4  }
0x76: {  	[tilespmem:s22+$0x360] =	vst.add.f32.msk $0xffff, v5  }
0x77: {  	[tilespmem:s22+$0x370] =	vst.add.f32.msk $0xffff, v6  }
0x78: {  	[tilespmem:s22+$0x380] =	vst.add.f32.msk $0xffff, v7  }
0x79: {  	[tilespmem:s22+$0x390] =	vst.add.f32.msk $0xffff, v8  }
0x7a: {  	[tilespmem:s22+$0x3A0] =	vst.add.f32.msk $0xffff, v9  }
.Ltmp0:
0x7b: {  	[tilespmem:s22+$0x3B0] =	vst.add.f32.msk $0xffff, v10;
	(pc) =	sbr.rel @p0 .LBB2_3-.Ltmp0, $4  }
0x7c: {  	[tilespmem:s22+$0x3C0] =	vst.add.f32.msk $0xffff, v11  }
0x7d: {  	[tilespmem:s22+$0x3D0] =	vst.add.f32.msk $0xffff, v12  }
0x7e: {  	[tilespmem:s22+$0x3E0] =	vst.add.f32.msk $0xffff, v13  }
0x7f: {  	s11 =	sadd.s32 $0x400, s11;
	[tilespmem:s22+$0x3F0] =	vst.add.f32.msk $0xffff, v14  }
0x80: {  	s9 =	smul.u32 $0x320, s20;
	_ =	sdelay $0x1  }
0x81: {  	s9 =	sadd.s32 s8, s9  }
0x82: {  	s9 =	sshll.u32 s9, $0x3  }
0x83: {  	[tilespmem:s22+$0x400] =	vst.add.f32.msk $0xffff, v0;
	s9 =	sadd.s32 s1, s9  }
0x84: {  	[hbm4b:s9+s3] =	stream.linear.scatter [tilespmem:s15], [sflag:$0x3], $0x6400, $0x38;
	[tilespmem:$0x12F20] =	vst v63  }
0x85: {  	_ =	swait.ge [sflag:s16], $0x1400  }
0x86: {  	[sflag:s16] =	ssyncset.done $0x0  }
0x87: {  	[sflag:s16] =	ssyncadd.s32 $0xFFFFEC00  }
0x88: {  	_ =	swait.ge [sflag:s16], $0x1400  }
0x89: {  	[sflag:s16] =	ssyncset.done $0x0  }
0x8a: {  	[sflag:s16] =	ssyncadd.s32 $0xFFFFEC00  }
0x8b: {  	_ =	swait.ge [sflag:s16], $0x1400  }
0x8c: {  	[sflag:s16] =	ssyncset.done $0x0  }
0x8d: {  	[sflag:s16] =	ssyncadd.s32 $0xFFFFEC00  }
0x8e: {  	_ =	swait.ge [sflag:s16], $0x1400  }
0x8f: {  	[sflag:s16] =	ssyncset.done $0x0  }
0x90: {  	[sflag:s16] =	ssyncadd.s32 $0xFFFFEC00  }
0x91: {  	_ =	swait.ge [sflag:s16], $0x1400  }
0x92: {  	p0 =	seq.s32 s20, $0x1F;
	[sflag:s16] =	ssyncset.done $0x0  }
0x93: {  	s5 =	sadd.s32 @!p0 s5, s10;
	[sflag:s16] =	ssyncadd.s32 $0xFFFFEC00  }
0x94: {  	s5 =	smul.u32 @!p0 $0x32, s5;
	_ =	swait.ge [sflag:s17], $0x6400  }
0x95: {  	[sflag:s17] =	ssyncset.done $0x0  }
0x96: {  	s5 =	sadd.s32 @!p0 s4, s5;
	s9 =	simm.s32 @!p0 $0x0;
	[sflag:s17] =	ssyncadd.s32 $0xFFFF9C00  }
0x97: {  	[tilespmem:s9], [sflag:$0x5] =	stream.linear.gather @!p0 [hbm4b:s5+s9], $0x190, $0x38;
	[tilespmem:$0x12F20] =	vst v63  }
0x98: {  	s5 =	simm.s32 @!p0 $0x5  }
0x99: {  	_ =	swait.ge @!p0 [sflag:s5], $0x190  }
0x9a: {  	[sflag:s5] =	ssyncset.done @!p0 $0x0  }
0x9b: {  	s11 =	simm.s32 @!p0 $0x320;
	[sflag:s5] =	ssyncadd.s32 @!p0 $0xFFFFFE70;
	s5 =	simm.s32 @!p0 $0x50  }
0x9c: {  	[tilespmem:s11], [sflag:$0x1] =	stream.indirect.gather @!p0 [hbm4b:s6+s5], $0x40, s9, s5, $0xb8;
	[tilespmem:$0x12F20] =	vst v63  }
0x9d: {  	s9 =	simm.s32 @!p0 $0x1720  }
0x9e: {  	[tilespmem:s9], [sflag:$0x1] =	stream.indirect.gather @!p0 [hbm4b:s6+s5], $0x40, s5, s5, $0xb8;
	[tilespmem:$0x12F20] =	vst v63  }
0x9f: {  	s11 =	simm.s32 @!p0 $0x2B20;
	s9 =	simm.s32 @!p0 $0xA0  }
0xa0: {  	[tilespmem:s11], [sflag:$0x1] =	stream.indirect.gather @!p0 [hbm4b:s6+s5], $0x40, s9, s5, $0xb8;
	[tilespmem:$0x12F20] =	vst v63  }
0xa1: {  	s9 =	simm.s32 @!p0 $0xF0;
	s11 =	simm.s32 @!p0 $0x3F20  }
0xa2: {  	[tilespmem:s11], [sflag:$0x1] =	stream.indirect.gather @!p0 [hbm4b:s6+s5], $0x40, s9, s5, $0xb8;
	[tilespmem:$0x12F20] =	vst v63  }
0xa3: {  	s22 =	simm.s32 $0x0;
	s9 =	simm.s32 @!p0 $0x140;
	s11 =	simm.s32 @!p0 $0x5320  }
0xa4: {  	[tilespmem:s11], [sflag:$0x1] =	stream.indirect.gather @!p0 [hbm4b:s6+s5], $0x40, s9, s5, $0xb8;
	[tilespmem:$0x12F20] =	vst v63  }
0xa5: {  	v0 =	vld [tilespmem:s22+$0xCC10]  }
0xa6: {  	v1 =	vld [tilespmem:s22+$0xCB20]  }
0xa7: {  	v2 =	vld [tilespmem:s22+$0xCB30]  }
0xa8: {  	v3 =	vld [tilespmem:s22+$0xCB40]  }
0xa9: {  	v4 =	vld [tilespmem:s22+$0xCB50]  }
0xaa: {  	v5 =	vld [tilespmem:s22+$0xCB60]  }
0xab: {  	v6 =	vld [tilespmem:s22+$0xCB70]  }
0xac: {  	v7 =	vld [tilespmem:s22+$0xCB80]  }
0xad: {  	v8 =	vld [tilespmem:s22+$0xCB90]  }
0xae: {  	v9 =	vld [tilespmem:s22+$0xCBA0]  }
0xaf: {  	v10 =	vld [tilespmem:s22+$0xCBB0]  }
0xb0: {  	v11 =	vld [tilespmem:s22+$0xCBC0]  }
0xb1: {  	v12 =	vld [tilespmem:s22+$0xCBD0]  }
0xb2: {  	v13 =	vld [tilespmem:s22+$0xCBE0]  }
0xb3: {  	v14 =	vld [tilespmem:s22+$0xCBF0]  }
0xb4: {  	[tilespmem:s22+$0x6810] =	vst.add.f32.msk $0xffff, v0  }
0xb5: {  	v0 =	vld [tilespmem:s22+$0xCC00]  }
0xb6: {  	[tilespmem:s22+$0x6720] =	vst.add.f32.msk $0xffff, v1  }
0xb7: {  	[tilespmem:s22+$0x6730] =	vst.add.f32.msk $0xffff, v2  }
0xb8: {  	[tilespmem:s22+$0x6740] =	vst.add.f32.msk $0xffff, v3  }
0xb9: {  	[tilespmem:s22+$0x6750] =	vst.add.f32.msk $0xffff, v4  }
0xba: {  	[tilespmem:s22+$0x6760] =	vst.add.f32.msk $0xffff, v5  }
0xbb: {  	[tilespmem:s22+$0x6770] =	vst.add.f32.msk $0xffff, v6  }
0xbc: {  	[tilespmem:s22+$0x6780] =	vst.add.f32.msk $0xffff, v7  }
0xbd: {  	[tilespmem:s22+$0x6790] =	vst.add.f32.msk $0xffff, v8  }
0xbe: {  	[tilespmem:s22+$0x67A0] =	vst.add.f32.msk $0xffff, v9  }
0xbf: {  	[tilespmem:s22+$0x67B0] =	vst.add.f32.msk $0xffff, v10  }
0xc0: {  	[tilespmem:s22+$0x67C0] =	vst.add.f32.msk $0xffff, v11  }
0xc1: {  	[tilespmem:s22+$0x67D0] =	vst.add.f32.msk $0xffff, v12  }
0xc2: {  	[tilespmem:s22+$0x67E0] =	vst.add.f32.msk $0xffff, v13  }
0xc3: {  	s5 =	simm.s32 $0x0;
	s9 =	simm.s32 $0x400;
	[tilespmem:s22+$0x67F0] =	vst.add.f32.msk $0xffff, v14  }
.LBB2_5:
0xc4: {  	s5 =	sadd.s32 $0x4, s5;
	[tilespmem:s22+$0x6800] =	vst.add.f32.msk $0xffff, v0;
	s22 =	sshra.s32 s9, $0x2  }
0xc5: {  	v0 =	vld [tilespmem:s22+$0xCC10];
	p0 =	slt.u32 s5, $0x18C  }
0xc6: {  	v1 =	vld [tilespmem:s22+$0xCB20]  }
0xc7: {  	v2 =	vld [tilespmem:s22+$0xCB30]  }
0xc8: {  	v3 =	vld [tilespmem:s22+$0xCB40]  }
0xc9: {  	v4 =	vld [tilespmem:s22+$0xCB50]  }
0xca: {  	[tilespmem:s22+$0x6810] =	vst.add.f32.msk $0xffff, v0  }
0xcb: {  	v5 =	vld [tilespmem:s22+$0xCB60]  }
0xcc: {  	v6 =	vld [tilespmem:s22+$0xCB70]  }
0xcd: {  	v7 =	vld [tilespmem:s22+$0xCB80]  }
0xce: {  	v8 =	vld [tilespmem:s22+$0xCB90]  }
0xcf: {  	v9 =	vld [tilespmem:s22+$0xCBA0]  }
0xd0: {  	v10 =	vld [tilespmem:s22+$0xCBB0]  }
0xd1: {  	v11 =	vld [tilespmem:s22+$0xCBC0]  }
0xd2: {  	v12 =	vld [tilespmem:s22+$0xCBD0]  }
0xd3: {  	v13 =	vld [tilespmem:s22+$0xCBE0]  }
0xd4: {  	v14 =	vld [tilespmem:s22+$0xCBF0]  }
0xd5: {  	v0 =	vld [tilespmem:s22+$0xCC00]  }
0xd6: {  	[tilespmem:s22+$0x6720] =	vst.add.f32.msk $0xffff, v1  }
0xd7: {  	[tilespmem:s22+$0x6730] =	vst.add.f32.msk $0xffff, v2  }
0xd8: {  	[tilespmem:s22+$0x6740] =	vst.add.f32.msk $0xffff, v3  }
0xd9: {  	[tilespmem:s22+$0x6750] =	vst.add.f32.msk $0xffff, v4  }
0xda: {  	[tilespmem:s22+$0x6760] =	vst.add.f32.msk $0xffff, v5  }
0xdb: {  	[tilespmem:s22+$0x6770] =	vst.add.f32.msk $0xffff, v6  }
0xdc: {  	[tilespmem:s22+$0x6780] =	vst.add.f32.msk $0xffff, v7  }
0xdd: {  	[tilespmem:s22+$0x6790] =	vst.add.f32.msk $0xffff, v8  }
0xde: {  	[tilespmem:s22+$0x67A0] =	vst.add.f32.msk $0xffff, v9  }
.Ltmp1:
0xdf: {  	[tilespmem:s22+$0x67B0] =	vst.add.f32.msk $0xffff, v10;
	(pc) =	sbr.rel @p0 .LBB2_5-.Ltmp1, $4  }
0xe0: {  	[tilespmem:s22+$0x67C0] =	vst.add.f32.msk $0xffff, v11  }
0xe1: {  	[tilespmem:s22+$0x67D0] =	vst.add.f32.msk $0xffff, v12  }
0xe2: {  	[tilespmem:s22+$0x67E0] =	vst.add.f32.msk $0xffff, v13  }
0xe3: {  	s9 =	sadd.s32 $0x400, s9;
	[tilespmem:s22+$0x67F0] =	vst.add.f32.msk $0xffff, v14  }
0xe4: {  	s5 =	smul.u32 $0x190, s21;
	s20 =	sadd.s32 $0x1, s20  }
0xe5: {  	p0 =	sne.s32 s20, $0x20  }
.Ltmp2:
0xe6: {  	s5 =	sadd.s32 s8, s5;
	(pc) =	sbr.rel @p0 .LBB2_2-.Ltmp2, $4  }
0xe7: {  	s5 =	sshll.u32 s5, $0x3  }
0xe8: {  	s5 =	sand.u32 $0x1FFFFF80, s5  }
0xe9: {  	[tilespmem:s22+$0x6800] =	vst.add.f32.msk $0xffff, v0;
	s5 =	sadd.s32 s1, s5  }
0xea: {  	[hbm4b:s5+s3] =	stream.linear.scatter [tilespmem:s25], [sflag:$0x4], $0x6400, $0x38;
	[tilespmem:$0x12F20] =	vst v63  }
0xeb: {  	_ =	swait.ge [sflag:s18], $0x6400  }
0xec: {  	s19 =	sadd.s32 $0x1, s19;
	s5 =	rddreg [dreg:$0x5]  }
0xed: {  	p0 =	sne.s32 s19, s5  }
.Ltmp3:
0xee: {  	_ = 	snop;
	(pc) =	sbr.rel @p0 .LBB2_1-.Ltmp3, $3  }
0xef: {  	_ =	sdelay $0x1  }
0xf0: {  	[sflag:s18] =	ssyncset.done $0x0  }
0xf1: {  	[sflag:s18] =	ssyncadd.s32 $0xFFFF9C00  }
0xf2: {  	_ =	sfence.sel $0x180000  }
0xf3: {  	[bflag:$0x0] =	sbarrier.arrive $0xFFFF  }
0xf4: {  	_ =	strace $0x90000047  }
0xf5: {  	s0 =	stileid.u32;
	[bflag:$0x2] =	sbarrier.arrive $0xFFFF  }
0xf6: {  	p0 =	sne.s32 s0, $0x0;
	s0 =	rddreg [dreg:$0x2]  }
0xf7: {  	s0 =	sadd.s32 @!p0 $0x100000, s0  }
0xf8: {  	[sflag:s0] =	ssyncadd.tile.s32 @!p0 $0x1;
	_ =	shalt  }
.Lfunc_end2:
_tile_overlayer_lowered:
.L_overlay_start_2:
0xf9: {  	(tag) =	ssettag $0x2  }
0xfa: {  	s0 =	rddreg [dreg:$0x0];
	s2 =	stileid.u32  }
0xfb: {  	s1 =	rddreg [dreg:$0x1];
	p0 =	sne.s32 s2, $0x0  }
0xfc: {  	s3 =	rddreg [dreg:$0x2];
	[bflag:$0x3] =	sbarrier.arrive $0xFFFF;
	s2 =	simm.s32 @!p0 $0x1C05  }
0xfd: {  	[timem:s3], [sflag:s2] =	dma.local @!p0 [hbm:s0], s1  }
0xfe: {  	s0 =	simm.s32 @!p0 $0x5  }
0xff: {  	_ =	swait.ge @!p0 [sflag:s0], s1  }
0x100: {  	s1 =	ssub.s32 @!p0 $0x0, s1;
	[sflag:s0] =	ssyncset.done @!p0 $0x0  }
0x101: {  	[sflag:s0] =	ssyncadd.s32 @!p0 s1  }
0x102: {  	[bflag:$0x3] =	sbarrier.arrive $0xFFFF  }
0x103: {  	_ =	shalt  }

// kernel: sparse-core-data-format-call.cloned.1.call-start
scs
called_computation_lowered:
.L_overlay_start_0:
0x0: {  	s2 =	sld [smem:$0x3FD9]  }
0x1: {  	s3 =	sld [smem:$0x3FFE];
	_ =	sdelay $0x1  }
0x2: {  	s1 =	srdreg.scid  }
0x3: {  	s0 =	sand.u32 $0x1, s1  }
0x4: {  	s18 =	sshll.u32 s0, $0xA;
	s2 =	sadd.s32 s3, s2  }
0x5: {  	s2 =	sadd.s32 s2, s18  }
0x6: {  	[smem:$0x3FC5] =	sst s2  }
0x7: {  	_ = 	snop  }
0x8: {  	s2 =	sld [smem:$0x3FD0];
	(tm) =	ssettm $0x1  }
0x9: {  	s19 =	sld [smem:$0x3FFB];
	_ =	sdelay $0x3  }
0xa: {  	_ =	strace s19  }
0xb: {  	s3 =	sld [smem:$0x3FFC];
	_ =	sdelay $0x3  }
0xc: {  	_ =	strace s3  }
0xd: {  	s3 =	sld [smem:$0x3FFD];
	_ =	sdelay $0x3  }
0xe: {  	_ =	strace s3  }
0xf: {  	_ =	strace $0x8FFFFFFF  }
0x10: {  	s20 =	sld [smem:$0x3FDB];
	_ =	sdelay $0x1  }
0x11: {  	s4 =	simm.s32 $_scs_section_size  }
0x12: {  	s5 =	simm.s32 $_size__tile_overlayer_lowered;
	s6 =	simm.s32 $_tile_overlayer_lowered  }
0x13: {  	s23 =	simm.s32 $0x1BFF;
	s22 =	sshll.u32 s6, $0x1;
	s3 =	sadd.s32 s4, s20  }
0x14: {  	s7 =	simm.s32 $0x0;
	s21 =	sshll.u32 s5, $0x1;
	s5 =	sadd.s32 s22, s3  }
0x15: {  	[timem:s7], [sflag:s23] =	dma.local [hbm:s5], s21  }
0x16: {  	_ =	swait.ge [sflag:s23], s21  }
0x17: {  	s4 =	ssub.s32 $0x0, s21;
	[sflag:s23] =	ssyncset.done $0x0  }
0x18: {  	[sflag:s23] =	ssyncadd.s32 s4;
	_ =	sdelay $0x1  }
0x19: {  	s24 =	simm.s32 $0x1B8B  }
0x1a: {  	_ =	swait.ge [sflag:s24], $0x1  }
0x1b: {  	[sflag:s24] =	ssyncset.done $0x0  }
0x1c: {  	s26 =	simm.s32 $0x1B8E;
	s25 =	sld [smem:$0x3FFE];
	[sflag:s24] =	ssyncadd.s32 $0xFFFFFFFF  }
0x1d: {  	s27 =	simm.s32 $execute0_lowered;
	[smem:$0x3FD2] =	sst s26  }
0x1e: {  	s5 =	sshll.u32 s27, $0x1;
	_ =	strace $0x80000049;
	[dreg:$0x1] =	wrdreg $0xFFFFFFFF  }
0x1f: {  	s28 =	simm.s32 $_size_execute0_lowered;
	s3 =	sadd.s32 s3, s5;
	[dreg:$0x0] =	wrdreg $0x0  }
0x20: {  	s5 =	sshll.u32 s28, $0x1;
	[dreg:$0x2] =	wrdreg s3  }
0x21: {  	[dreg:$0x3] =	wrdreg s5  }
0x22: {  	[dreg:$0x4] =	wrdreg $0xC0  }
0x23: {  	_ =	task [dreg:s7], $0x5FFFF  }
0x24: {  	[dreg:$0x1] =	wrdreg $0xFFFFFFFF  }
0x25: {  	[dreg:$0x0] =	wrdreg $0x60  }
0x26: {  	[dreg:$0x2] =	wrdreg s25  }
0x27: {  	[dreg:$0x3] =	wrdreg s2  }
0x28: {  	[dreg:$0x4] =	wrdreg $0x9  }
0x29: {  	_ =	task.clear_ibuf [dreg:s7], $0x5FFFF;
	_ =	strace $0x90000049  }
0x2a: {  	s29 =	simm.s32 $0x9;
	_ =	strace $0x8000004B  }
0x2b: {  	_ =	swait.ge [sflag:s29], $0x1  }
0x2c: {  	[sflag:s29] =	ssyncadd.s32 $0xFFFFFFFF  }
0x2d: {  	_ =	strace $0x9000004B  }
0x2e: {  	_ =	sfence  }
0x2f: {  	s30 =	sld [smem:$0x0];
	_ =	sdelay $0x2  }
0x30: {  	s31 =	sshll.u32 s1, $0xD;
	s1 =	sshrl.u32 s1, $0x2  }
0x31: {  	s3 =	sand.u32 $0x4000, s31;
	s1 =	sadd.s32 s1, s30  }
0x32: {  	s0 =	sor.u32 s3, s0;
	s1 =	sshll.u32 s1, $0x11  }
0x33: {  	s0 =	sor.u32 s1, s0  }
0x34: {  	s0 =	sadd.s32 $0x8F2B, s0  }
0x35: {  	[sflag:s0] =	ssyncadd.remote.s32 $0x1  }
0x36: {  	_ =	sfence.sel $0xFFFF  }
0x37: {  	[dreg:$0x0] =	wrdreg $0xFFFFFFFF;
	(pc) =	sbr.abs _section_cstart, $3  }
0x38: {  	[dreg:$0x1] =	wrdreg $0xFFFFFFFF  }
0x39: {  	_ =	task.clear_ibuf [dreg:s7], $0x2FFFF;
	_ =	strace $0x9FFFFFFF  }
0x3a: {  	(tm) =	ssettm $0x7FFFFFFF  }
0x3b: {  	_ =	shalt  }
tec
execute0_lowered:
.L_overlay_start_1:
0x0: {  	(tag) =	ssettag $0x1  }
0x1: {  	s0 =	srdreg.scid  }
0x2: {  	s1 =	sshll.u32 s0, $0x4  }
0x3: {  	s0 =	stileid.u32;
	s1 =	sand.u32 $0x10, s1  }
0x4: {  	s1 =	sor.u32 s0, s1  }
0x5: {  	s6 =	rddreg [dreg:$0x0];
	s4 =	simm.s32 $0x1;
	s2 =	sshll.u32 s1, $0x7  }
0x6: {  	s7 =	simm.s32 $0x2;
	s12 =	simm.s32 $0x0;
	s1 =	ssub.s32 $0x1000, s2  }
0x7: {  	s8 =	simm.s32 $0x8000;
	s13 =	simm.s32 $0x0;
	s3 =	sand.u32 $0xF80, s1  }
0x8: {  	s9 =	simm.s32 $0x0;
	s5 =	sshrl.u32 s1, $0xC;
	p0 =	sne.s32 s3, $0x0  }
.Ltmp0:
0x9: {  	s1 =	rddreg [dreg:$0x2];
	s4 =	simm.s32 @!p0 $0x0;
	(pc) =	sbr.rel .LBB1_1-.Ltmp0, $4  }
0xa: {  	s11 =	simm.s32 $0x0;
	s3 =	rddreg [dreg:$0x1];
	s5 =	sadd.s32 s4, s5  }
0xb: {  	_ =	strace $0x8000004A;
	s4 =	simm.s32 $0x1;
	s5 =	smul.u32 $0xC8, s5  }
0xc: {  	s6 =	sadd.s32 $0xC00, s6;
	s10 =	smov.u32 s2;
	[sflag:s4] =	ssyncpa.u1 $0x0  }
0xd: {  	p0 =	por $0x0, $0x0;
	[sflag:s7] =	ssyncpa.u1 $0x0;
	s7 =	sor.u32 $0x1, s5  }
.LBB1_4:
0xe: {  	s16 =	sshll.u32 s13, $0x3;
	s17 =	sand.u32 $0x78, s13  }
0xf: {  	s30 =	sand.u32 $0x7E00, s13;
	s12 =	sshll.u32 s12, $0xF;
	s16 =	sand.u32 $0xC00, s16  }
0x10: {  	[tilespmem:s15+$0x810 ss:$0x81] =	vst.msk $0xffff, v2;
	s31 =	sand.u32 $0x7, s13;
	s16 =	sor.u32 s17, s16;
	s17 =	sadd.s32 s3, s30  }
0x11: {  	[tilespmem:s15+$0x1020 ss:$0x81] =	vst.msk $0xffff, v0;
	s13 =	sshll.u32 s31, $0x12;
	s12 =	sadd.s32 s12, s17;
	s16 =	sshrl.u32 s16, $0x3  }
0x12: {  	[tilespmem:s15+$0x0 ss:$0x81] =	vst.msk $0xffff, v1;
	s13 =	sor.u32 $0x400, s13;
	s12 =	sadd.s32 s16, s12  }
0x13: {  	[hbm4b:s12+s13] =	stream.strided.scatter [tilespmem:s14], [sflag:$0x2], $0x2000, s8, s13, $0x20;
	[tilespmem:$0x8080] =	vst v63  }
.LBB1_5:
0x14: {  	s14 =	sadd.s32 $0x1, s9  }
0x15: {  	s12 =	sadd.s32 $0x1000, s10;
	s16 =	smov.u32 s10;
	p2 =	sgt.s32 s14, $0xC7  }
0x16: {  	s16 =	smov.u32 @p2 s12  }
0x17: {  	s14 =	simm.s32 @p2 $0x0;
	p2 =	sgt.s32 s16, $0xFFF  }
0x18: {  	s16 =	smov.u32 @p2 s2;
	p2 =	sne.s32 s11, s7  }
.Ltmp1:
0x19: {  	p1 =	slt.u32 s11, $0x2;
	(pc) =	sbr.rel @!p2 .LBB1_6-.Ltmp1, $4  }
0x1a: {  	s15 =	simm.s32 @!p1 $0x2  }
0x1b: {  	s13 =	smov.u32 s10;
	p0 =	por !p0, !p0;
	_ =	swait.ge @!p1 [sflag:s15], $0x2000  }
0x1c: {  	s12 =	smov.u32 s9;
	[sflag:s15] =	ssyncset.done @!p1 $0x0;
	s9 =	smov.u32 s14  }
0x1d: {  	s11 =	sadd.s32 $0x1, s11;
	[sflag:s15] =	ssyncadd.s32 @!p1 $0xFFFFE000;
	s10 =	smov.u32 s16  }
.LBB1_1:
0x1e: {  	p1 =	sge.u32 s11, s5  }
0x1f: {  	s14 =	sand.u32 @!p1 $0x1FFFFFF, s9  }
0x20: {  	s15 =	smulhi.u32 @!p1 $0x147AE15, s14;
	_ =	sdelay $0x1  }
0x21: {  	s15 =	smul.u32 @!p1 $0xC8, s15  }
0x22: {  	s16 =	sxor.u32 @!p1 $0xFFFFFFFF, s11;
	s17 =	smul.u32 @!p1 $0xC80, s10  }
0x23: {  	s31 =	sadd.s32 $0xFFFFFFFF, s11;
	s16 =	sshll.u32 @!p1 s16, $0xD;
	s14 =	ssub.s32 @!p1 s14, s15  }
0x24: {  	s15 =	sand.u32 @!p1 $0x2000, s16;
	s16 =	sadd.s32 @!p1 s6, s17;
	s14 =	sshll.u32 @!p1 s14, $0x4  }
0x25: {  	s17 =	simm.s32 @!p1 $0x6400;
	s14 =	sadd.s32 @!p1 s14, s16;
	s16 =	simm.s32 @!p1 $0x40  }
0x26: {  	[tilespmem:s15], [sflag:$0x1] =	stream.strided.gather @!p1 [hbm4b:s14+s16], $0x2000, s17, s16, $0x38;
	[tilespmem:$0x8080] =	vst v63  }
0x27: {  	p1 =	sge.u32 s31, s5  }
.Ltmp2:
0x28: {  	_ = 	snop;
	(pc) =	sbr.rel @p1 .LBB1_5-.Ltmp2, $1  }
0x29: {  	_ =	sdelay $0x3  }
0x2a: {  	s14 =	simm.s32 $0x1  }
0x2b: {  	_ =	swait.ge [sflag:s4], $0x2000;
	s14 =	simm.s32 @!p0 $0x0  }
0x2c: {  	[sflag:s4] =	ssyncset.done $0x0;
	s15 =	sshll.u32 s14, $0xD  }
0x2d: {  	[sflag:s4] =	ssyncadd.s32 $0xFFFFE000;
	s18 =	sor.u32 $0x20, s15  }
0x2e: {  	s14 =	smul.u32 $0x8100, s14;
	v3 =	vld [tilespmem:s18+$0x10]  }
0x2f: {  	s30 =	sand.u32 $0x1, s11;
	v2 =	vld [tilespmem:s18+$0xFFFFFFF0]  }
0x30: {  	s15 =	smul.u32 $0x8100, s30;
	s14 =	sshrl.u32 s14, $0x2;
	v0 =	vld [tilespmem:s18+$0x0]  }
0x31: {  	v1 =	vld [tilespmem:s18+$0xFFFFFFE0];
	s16 =	sor.u32 $0x4000, s14  }
0x32: {  	s31 =	sshrl.u32 s15, $0x2;
	s15 =	sadd.s32 $0x0, s16  }
0x33: {  	s17 =	simm.s32 $0x4;
	s18 =	sadd.s32 $0x40, s18;
	s14 =	sor.u32 $0x4000, s31;
	[tilespmem:s15+$0x1830 ss:$0x81] =	vst.msk $0xffff, v3  }
.LBB1_3:
0x34: {  	v3 =	vld [tilespmem:s18+$0x10];
	p1 =	sne.s32 s17, $0x1FC;
	[tilespmem:s15+$0x810 ss:$0x81] =	vst.msk $0xffff, v2;
	s19 =	smov.u32 s17;
	s17 =	sadd.s32 $0x4, s17  }
.Ltmp3:
0x35: {  	v2 =	vld [tilespmem:s18+$0xFFFFFFF0];
	[tilespmem:s15+$0x1020 ss:$0x81] =	vst.msk $0xffff, v0;
	(pc) =	sbr.rel @p1 .LBB1_3-.Ltmp3, $4  }
0x36: {  	v0 =	vld [tilespmem:s18+$0x0];
	[tilespmem:s15+$0x0 ss:$0x81] =	vst.msk $0xffff, v1  }
0x37: {  	s15 =	sshra.s32 s19, $0x2;
	v1 =	vld [tilespmem:s18+$0xFFFFFFE0]  }
0x38: {  	s15 =	sadd.s32 s15, s16  }
0x39: {  	s18 =	sadd.s32 $0x40, s18;
	[tilespmem:s15+$0x1830 ss:$0x81] =	vst.msk $0xffff, v3  }
.Ltmp4:
0x3a: {  	_ = 	snop;
	(pc) =	sbr.rel .LBB1_4-.Ltmp4, $1  }
0x3b: {  	_ =	sdelay $0x3  }
.LBB1_6:
0x3c: {  	_ =	sfence.sel $0x180000  }
0x3d: {  	s2 =	simm.s32 $0x1;
	[bflag:$0x0] =	sbarrier.arrive $0xFFFF  }
0x3e: {  	s31 =	simm.s32 $0x2;
	[sflag:s2] =	ssyncpa.u1 $0x1  }
0x3f: {  	[sflag:s31] =	ssyncpa.u1 $0x1  }
0x40: {  	p0 =	sne.s32 s0, $0x0;
	_ =	strace $0x9000004A  }
0x41: {  	s0 =	sadd.s32 @!p0 $0x100000, s1;
	[bflag:$0x2] =	sbarrier.arrive $0xFFFF  }
0x42: {  	[sflag:s0] =	ssyncadd.tile.s32 @!p0 $0x1;
	_ =	shalt  }
.Lfunc_end1:
_tile_overlayer_lowered:
.L_overlay_start_2:
0x43: {  	(tag) =	ssettag $0x2  }
0x44: {  	s0 =	rddreg [dreg:$0x0];
	s2 =	stileid.u32  }
0x45: {  	s1 =	rddreg [dreg:$0x1];
	p0 =	sne.s32 s2, $0x0  }
0x46: {  	s3 =	rddreg [dreg:$0x2];
	[bflag:$0x3] =	sbarrier.arrive $0xFFFF;
	s2 =	simm.s32 @!p0 $0x1C01  }
0x47: {  	[timem:s3], [sflag:s2] =	dma.local @!p0 [hbm:s0], s1  }
0x48: {  	s0 =	simm.s32 @!p0 $0x1  }
0x49: {  	_ =	swait.ge @!p0 [sflag:s0], s1  }
0x4a: {  	s1 =	ssub.s32 @!p0 $0x0, s1;
	[sflag:s0] =	ssyncset.done @!p0 $0x0  }
0x4b: {  	[sflag:s0] =	ssyncadd.s32 @!p0 s1  }
0x4c: {  	[bflag:$0x3] =	sbarrier.arrive $0xFFFF  }
0x4d: {  	_ =	shalt  }

</sc_bundles>
